<compile_context>
chip_gen: v7x
topology: tpu7x:2x2x1
jax: 0.10.2.dev20260603
libtpu: 0.0.44.dev20260713+nightly
codegen_flags: <defaults>
</compile_context>

<pallas_src>
import functools

import jax
import jax.numpy as jnp
from jax import lax
from jax.experimental import pallas as pl
from jax.experimental.pallas import tpu as pltpu
from jax.experimental.pallas import tpu_sc as plsc

_MIN_STATES = 4
_MAX_STATES = 64
_CHUNK = 1024
_NBUF = 4


def _imp_body(sb_ref, Wi1_ref, bi1_ref, Wi2_ref, bi2_ref, temp_ref, imp_ref):
    def dot_t(a, w):
        return lax.dot_general(a, w, (((1,), (1,)), ((), ())),
                               preferred_element_type=jnp.float32)

    hi = jax.nn.relu(dot_t(sb_ref[:, :], Wi1_ref[:, :]) + bi1_ref[:][None, :])
    logits = dot_t(hi, jnp.broadcast_to(Wi2_ref[:, :], (16, Wi2_ref.shape[1])))
    logits = logits + bi2_ref[0]
    temp = jnp.maximum(jnp.abs(temp_ref[0]), 0.1)
    imp_ref[...] = jax.nn.softmax(logits / temp, axis=0)


def _imp_call(state_bank, Wi1, bi1, Wi2, bi2, temperature):
    vmem = pl.BlockSpec(memory_space=pltpu.VMEM)
    smem = pl.BlockSpec(memory_space=pltpu.SMEM)
    return pl.pallas_call(
        _imp_body,
        in_specs=[vmem, vmem, vmem, vmem, smem, smem],
        out_specs=vmem,
        out_shape=jax.ShapeDtypeStruct((_MAX_STATES, 16), jnp.float32),
    )(state_bank, Wi1, bi1, Wi2, bi2, temperature)


def _sc_rank_call(imp2d):
    mesh = plsc.VectorSubcoreMesh(core_axis_name="c", subcore_axis_name="s",
                                  num_cores=1)
    n_vregs = _MAX_STATES // 16

    @functools.partial(
        pl.kernel,
        mesh=mesh,
        out_type=jax.ShapeDtypeStruct((1, _MAX_STATES), jnp.int32),
        scratch_types=[
            pltpu.VMEM((_MAX_STATES, 16), jnp.float32),
            pltpu.VMEM((1, _MAX_STATES), jnp.int32),
        ],
    )
    def k(imp_hbm, rank_hbm, imp_v, rank_v):
        wid = lax.axis_index("s") + lax.axis_index("c")

        @pl.when(wid == 0)
        def _():
            pltpu.sync_copy(imp_hbm, imp_v)
            iota = lax.iota(jnp.int32, 16)

            def build(a):
                def lbody(l, v):
                    return jnp.where(iota == l, imp_v[16 * a + l, :], v)
                return lax.fori_loop(1, 16, lbody, imp_v[16 * a, :])

            vs = [build(a) for a in range(n_vregs)]
            gids = [iota + 16 * a for a in range(n_vregs)]

            def jbody(j, ranks):
                vj = imp_v[j, :]
                out = []
                for a in range(n_vregs):
                    cmp = (vj > vs[a]) | ((vj == vs[a]) & (j < gids[a]))
                    out.append(ranks[a] + jnp.where(cmp, 1, 0).astype(jnp.int32))
                return tuple(out)

            zero = jnp.zeros((16,), jnp.int32)
            ranks = lax.fori_loop(0, _MAX_STATES, jbody,
                                  tuple(zero for _ in range(n_vregs)))
            for a in range(n_vregs):
                rank_v[0, pl.ds(16 * a, 16)] = ranks[a]
            pltpu.sync_copy(rank_v, rank_hbm)

    return k(imp2d)


def _make_main_body(B, S, D):
    nchunks = (B * S) // _CHUNK
    chunks_per_batch = S // _CHUNK

    def body(xf_ref, sb_ref, W1_ref, b1_ref, W2_ref, b2_ref, W3_ref, b3_ref,
             alloc_ref, ns_ref, buf_ref, sems):
        def start(i, slot):
            pltpu.make_async_copy(
                xf_ref.at[pl.ds(i * _CHUNK, _CHUNK), :],
                buf_ref.at[slot], sems.at[slot]).start()

        def wait(slot):
            pltpu.make_async_copy(
                xf_ref.at[pl.ds(0, _CHUNK), :],
                buf_ref.at[slot], sems.at[slot]).wait()

        for slot in range(_NBUF):
            start(slot, slot)

        rows8 = jax.lax.broadcasted_iota(jnp.int32, (8, 1), 0)

        def round_body(r, acc):
            for slot in range(_NBUF):
                i = r * _NBUF + slot
                wait(slot)

                @pl.when(i + _NBUF < nchunks)
                def _():
                    start(i + _NBUF, slot)

                partial = jnp.sum(buf_ref[slot], axis=0)
                onehot = (rows8 == i // chunks_per_batch).astype(jnp.float32)
                acc = acc + onehot * partial[None, :]
            return acc

        acc = lax.fori_loop(0, nchunks // _NBUF, round_body,
                            jnp.zeros((8, D), jnp.float32))

        def dot_t(a, w):
            return lax.dot_general(a, w, (((1,), (1,)), ((), ())),
                                   preferred_element_type=jnp.float32)

        pooled = acc[:B, :] * (1.0 / S)
        h = jax.nn.relu(dot_t(pooled, W1_ref[:, :]) + b1_ref[:][None, :])
        h = jax.nn.relu(dot_t(h, W2_ref[:, :]) + b2_ref[:][None, :])
        z = dot_t(h, jnp.broadcast_to(W3_ref[:, :], (16, W3_ref.shape[1])))
        complexity = jax.nn.sigmoid(z + b3_ref[0])
        ns_ref[...] = jnp.clip(
            jnp.round(_MIN_STATES + complexity * (_MAX_STATES - _MIN_STATES)),
            _MIN_STATES, _MAX_STATES).astype(jnp.int32)

        alloc_ref[...] = jnp.broadcast_to(sb_ref[:, :][None, :, :],
                                          alloc_ref.shape)

    return body


def _main_call(x, state_bank, W1, b1, W2, b2, W3, b3):
    B, S, D = x.shape
    xf = x.reshape(B * S, D)

    vmem = pl.BlockSpec(memory_space=pltpu.VMEM)
    smem = pl.BlockSpec(memory_space=pltpu.SMEM)

    out_shape = (
        jax.ShapeDtypeStruct((B, _MAX_STATES, state_bank.shape[1]), jnp.float32),
        jax.ShapeDtypeStruct((B, 16), jnp.int32),
    )
    return pl.pallas_call(
        _make_main_body(B, S, D),
        in_specs=[pl.BlockSpec(memory_space=pl.ANY),
                  vmem, vmem, vmem, vmem, vmem, vmem, smem],
        out_specs=(vmem, vmem),
        out_shape=out_shape,
        scratch_shapes=[
            pltpu.VMEM((_NBUF, _CHUNK, D), jnp.float32),
            pltpu.SemaphoreType.DMA((_NBUF,)),
        ],
        compiler_params=pltpu.CompilerParams(
            vmem_limit_bytes=100 * 1024 * 1024),
    )(xf, state_bank, W1, b1, W2, b2, W3, b3)


def _combine_body(rank_ref, ns_ref, mask_ref):
    B = ns_ref.shape[0]
    reps = _MAX_STATES // ns_ref.shape[1]
    ns64 = jnp.concatenate([ns_ref[:, :]] * reps, axis=1)
    rank4 = jnp.broadcast_to(rank_ref[:, :], (B, _MAX_STATES))
    mask_ref[...] = rank4 < ns64


def _combine_call(rankT, ns2):
    vmem = pl.BlockSpec(memory_space=pltpu.VMEM)
    return pl.pallas_call(
        _combine_body,
        in_specs=[vmem, vmem],
        out_specs=vmem,
        out_shape=jax.ShapeDtypeStruct((ns2.shape[0], _MAX_STATES), jnp.bool_),
    )(rankT, ns2)


def kernel(x, state_bank, W1, b1, W2, b2, W3, b3, Wi1, bi1, Wi2, bi2,
           temperature):
    imp2d = _imp_call(state_bank, Wi1, bi1, Wi2, bi2, temperature)
    rankT = _sc_rank_call(imp2d)
    alloc, ns2 = _main_call(x, state_bank, W1, b1, W2, b2, W3, b3)
    mask = _combine_call(rankT, ns2)
    return alloc, mask

# --- scband reference (transcript-rebuilt; emitter-appended) ---
"""Pipeline reference for scband-adaptive-state-allocator-64424509440484 (READ-ONLY COPY).

The authoritative reference and input builder live on the scoring server;
editing this copy changes nothing except your own understanding.
"""

import jax, jax.numpy as jnp
import numpy as np

MIN_STATES = 4
MAX_STATES = 64
STATE_DIM = 256
INPUT_DIM = 2048


def setup_inputs(seed: int = 0) -> dict:
    key = jax.random.key(seed)
    ks = jax.random.split(key, 12)
    x = jax.random.normal(ks[0], (4, 8192, INPUT_DIM), dtype=jnp.float32)
    state_bank = jax.random.normal(ks[1], (MAX_STATES, STATE_DIM), dtype=jnp.float32) * 0.02
    # complexity_estimator: Linear(input_dim, state_dim) -> ReLU -> Linear(state_dim, state_dim//2) -> ReLU -> Linear(state_dim//2, 1) -> Sigmoid
    W1 = jax.random.normal(ks[2], (STATE_DIM, INPUT_DIM), dtype=jnp.float32) * 0.02
    b1 = jnp.zeros((STATE_DIM,), dtype=jnp.float32)
    W2 = jax.random.normal(ks[3], (STATE_DIM // 2, STATE_DIM), dtype=jnp.float32) * 0.02
    b2 = jnp.zeros((STATE_DIM // 2,), dtype=jnp.float32)
    W3 = jax.random.normal(ks[4], (1, STATE_DIM // 2), dtype=jnp.float32) * 0.02
    b3 = jnp.zeros((1,), dtype=jnp.float32)
    # importance_scorer: Linear(state_dim, state_dim//2) -> ReLU -> Linear(state_dim//2, 1)
    Wi1 = jax.random.normal(ks[5], (STATE_DIM // 2, STATE_DIM), dtype=jnp.float32) * 0.02
    bi1 = jnp.zeros((STATE_DIM // 2,), dtype=jnp.float32)
    Wi2 = jax.random.normal(ks[6], (1, STATE_DIM // 2), dtype=jnp.float32) * 0.02
    bi2 = jnp.zeros((1,), dtype=jnp.float32)
    temperature = jnp.ones((1,), dtype=jnp.float32)
    return {"x": x, "state_bank": state_bank, "W1": W1, "b1": b1, "W2": W2, "b2": b2, "W3": W3, "b3": b3, "Wi1": Wi1, "bi1": bi1, "Wi2": Wi2, "bi2": bi2, "temperature": temperature}


def reference(x, state_bank, W1, b1, W2, b2, W3, b3, Wi1, bi1, Wi2, bi2, temperature):
    batch_size = x.shape[0]
    # estimate_complexity
    x_pooled = x.mean(axis=1) if x.ndim == 3 else x
    h = jax.nn.relu(x_pooled @ W1.T + b1)
    h = jax.nn.relu(h @ W2.T + b2)
    complexity = jax.nn.sigmoid(h @ W3.T + b3).squeeze(-1)  # [B]
    # importance over state bank
    hi = jax.nn.relu(state_bank @ Wi1.T + bi1)
    importance = (hi @ Wi2.T + bi2).squeeze(-1)  # [max_states]
    temp = jnp.maximum(jnp.abs(temperature), 0.1)
    importance = jax.nn.softmax(importance / temp, axis=-1)
    # number of active states per sample
    num_states = jnp.clip(jnp.round(MIN_STATES + complexity * (MAX_STATES - MIN_STATES)).astype(jnp.int64), MIN_STATES, MAX_STATES)
    # sort states by importance descending; mask top-k per sample
    sorted_indices = jnp.argsort(-importance)
    rank = jnp.zeros((MAX_STATES,), dtype=jnp.int64).at[sorted_indices].set(jnp.arange(MAX_STATES, dtype=jnp.int64))
    state_mask = rank[None, :] < num_states[:, None]  # [B, max_states] bool
    allocated_states = jnp.broadcast_to(state_bank[None, :, :], (batch_size, MAX_STATES, STATE_DIM))
    return (allocated_states, state_mask)

if __name__ == "__main__":
    import jax
    _d = setup_inputs()
    print(jax.jit(kernel)(*tuple(_d.values())))

</pallas_src>

<mosaic_0001>
#map = affine_map<(d0, d1) -> (0, 0)>
module attributes {stable_mosaic.version = 14 : i64} {
  func.func @k(%arg0: i32, %arg1: i32, %arg2: memref<64x16xf32, #tpu.memory_space<hbm>>, %arg3: memref<1x64xi32, #tpu.memory_space<hbm>>, %arg4: memref<64x16xf32, #tpu.memory_space<vmem>>, %arg5: memref<1x64xi32, #tpu.memory_space<vmem>>) attributes {dimension_semantics = [#tpu.dimension_semantics<core_parallel>, #tpu.dimension_semantics<subcore_parallel>], iteration_bounds = array<i64: 1, 16>, scalar_prefetch = 0 : i64, scratch_operands = 2 : i64, tpu.core_type = #tpu.core_type<sc_vector_subcore>, window_params = [{transform_indices = #map}, {transform_indices = #map}]} {
    %add3A = arith.addi %arg1, %arg0 : i32
    %eq3A = arith.constant 0 : i32
    %eq3A_0 = arith.cmpi eq, %add3A, %eq3A : i32
    %convert_element_type3A = arith.extui %eq3A_0 : i1 to i32
    %cond3A = arith.constant 0 : i32
    %cond3A_1 = arith.cmpi ne, %convert_element_type3A, %cond3A : i32
    scf.if %cond3A_1 {
      "tpu.region"() ({
        %run_scoped3A = tpu.sem_alloc : memref<!tpu.dma_semaphore, #tpu.memory_space<semaphore_mem>>
        tpu.enqueue_dma source(%arg2 : memref<64x16xf32, #tpu.memory_space<hbm>>) target(%arg4 : memref<64x16xf32, #tpu.memory_space<vmem>>) target_semaphore(%run_scoped3A : memref<!tpu.dma_semaphore, #tpu.memory_space<semaphore_mem>>)
        tpu.wait_dma2 semaphore(%run_scoped3A : memref<!tpu.dma_semaphore, #tpu.memory_space<semaphore_mem>>) src(%arg2 : memref<64x16xf32, #tpu.memory_space<hbm>>) dst(%arg4 : memref<64x16xf32, #tpu.memory_space<vmem>>)
        tpu.yield
      }) : () -> ()
      %iota3A = tpu.iota {dimensions = array<i32: 0>} : vector<16xi32>
      %get3A = arith.constant 0 : i32
      %get3A_2 = arith.index_cast %get3A : i32 to index
      %get3A_3 = arith.constant 0 : index
      %get3A_4 = tpu.vector_load %arg4[%get3A_2, %get3A_3] {strides = array<i32>} : memref<64x16xf32, #tpu.memory_space<vmem>>, vector<1x16xf32>,
      %get3A_5 = vector.shape_cast %get3A_4 : vector<1x16xf32> to vector<16xf32>
      %scan3A = arith.constant 1 : i32
      %scan3A_6 = arith.constant 15 : i32
      %scan3A_7 = arith.addi %scan3A, %scan3A_6 : i32
      %scan3A_8 = arith.constant 1 : i32
      %scan3A_9 = scf.for %scan3A_86 = %scan3A to %scan3A_7 step %scan3A_8 iter_args(%scan3A_87 = %get3A_5) -> (vector<16xf32>)  : i32 {
        %eq3A_88 = vector.broadcast %scan3A_86 : i32 to vector<16xi32>
        %eq3A_89 = arith.cmpi eq, %iota3A, %eq3A_88 : vector<16xi32>
        %add3A_90 = arith.constant 0 : i32
        %add3A_91 = arith.addi %add3A_90, %scan3A_86 : i32
        %get3A_92 = arith.index_cast %add3A_91 : i32 to index
        %get3A_93 = arith.constant 0 : index
        %get3A_94 = tpu.vector_load %arg4[%get3A_92, %get3A_93] {strides = array<i32>} : memref<64x16xf32, #tpu.memory_space<vmem>>, vector<1x16xf32>,
        %get3A_95 = vector.shape_cast %get3A_94 : vector<1x16xf32> to vector<16xf32>
        %select_n3A = arith.select %eq3A_89, %get3A_95, %scan3A_87 : vector<16xi1>, vector<16xf32>
        scf.yield %select_n3A : vector<16xf32>
      }
      %scan3A_10 = arith.constant 15 : i32
      %get3A_11 = arith.constant 16 : i32
      %get3A_12 = arith.index_cast %get3A_11 : i32 to index
      %get3A_13 = arith.constant 0 : index
      %get3A_14 = tpu.vector_load %arg4[%get3A_12, %get3A_13] {strides = array<i32>} : memref<64x16xf32, #tpu.memory_space<vmem>>, vector<1x16xf32>,
      %get3A_15 = vector.shape_cast %get3A_14 : vector<1x16xf32> to vector<16xf32>
      %scan3A_16 = arith.constant 1 : i32
      %scan3A_17 = arith.constant 15 : i32
      %scan3A_18 = arith.addi %scan3A_16, %scan3A_17 : i32
      %scan3A_19 = arith.constant 1 : i32
      %scan3A_20 = scf.for %scan3A_86 = %scan3A_16 to %scan3A_18 step %scan3A_19 iter_args(%scan3A_87 = %get3A_15) -> (vector<16xf32>)  : i32 {
        %eq3A_88 = vector.broadcast %scan3A_86 : i32 to vector<16xi32>
        %eq3A_89 = arith.cmpi eq, %iota3A, %eq3A_88 : vector<16xi32>
        %add3A_90 = arith.constant 16 : i32
        %add3A_91 = arith.addi %add3A_90, %scan3A_86 : i32
        %get3A_92 = arith.index_cast %add3A_91 : i32 to index
        %get3A_93 = arith.constant 0 : index
        %get3A_94 = tpu.vector_load %arg4[%get3A_92, %get3A_93] {strides = array<i32>} : memref<64x16xf32, #tpu.memory_space<vmem>>, vector<1x16xf32>,
        %get3A_95 = vector.shape_cast %get3A_94 : vector<1x16xf32> to vector<16xf32>
        %select_n3A = arith.select %eq3A_89, %get3A_95, %scan3A_87 : vector<16xi1>, vector<16xf32>
        scf.yield %select_n3A : vector<16xf32>
      }
      %scan3A_21 = arith.constant 15 : i32
      %get3A_22 = arith.constant 32 : i32
      %get3A_23 = arith.index_cast %get3A_22 : i32 to index
      %get3A_24 = arith.constant 0 : index
      %get3A_25 = tpu.vector_load %arg4[%get3A_23, %get3A_24] {strides = array<i32>} : memref<64x16xf32, #tpu.memory_space<vmem>>, vector<1x16xf32>,
      %get3A_26 = vector.shape_cast %get3A_25 : vector<1x16xf32> to vector<16xf32>
      %scan3A_27 = arith.constant 1 : i32
      %scan3A_28 = arith.constant 15 : i32
      %scan3A_29 = arith.addi %scan3A_27, %scan3A_28 : i32
      %scan3A_30 = arith.constant 1 : i32
      %scan3A_31 = scf.for %scan3A_86 = %scan3A_27 to %scan3A_29 step %scan3A_30 iter_args(%scan3A_87 = %get3A_26) -> (vector<16xf32>)  : i32 {
        %eq3A_88 = vector.broadcast %scan3A_86 : i32 to vector<16xi32>
        %eq3A_89 = arith.cmpi eq, %iota3A, %eq3A_88 : vector<16xi32>
        %add3A_90 = arith.constant 32 : i32
        %add3A_91 = arith.addi %add3A_90, %scan3A_86 : i32
        %get3A_92 = arith.index_cast %add3A_91 : i32 to index
        %get3A_93 = arith.constant 0 : index
        %get3A_94 = tpu.vector_load %arg4[%get3A_92, %get3A_93] {strides = array<i32>} : memref<64x16xf32, #tpu.memory_space<vmem>>, vector<1x16xf32>,
        %get3A_95 = vector.shape_cast %get3A_94 : vector<1x16xf32> to vector<16xf32>
        %select_n3A = arith.select %eq3A_89, %get3A_95, %scan3A_87 : vector<16xi1>, vector<16xf32>
        scf.yield %select_n3A : vector<16xf32>
      }
      %scan3A_32 = arith.constant 15 : i32
      %get3A_33 = arith.constant 48 : i32
      %get3A_34 = arith.index_cast %get3A_33 : i32 to index
      %get3A_35 = arith.constant 0 : index
      %get3A_36 = tpu.vector_load %arg4[%get3A_34, %get3A_35] {strides = array<i32>} : memref<64x16xf32, #tpu.memory_space<vmem>>, vector<1x16xf32>,
      %get3A_37 = vector.shape_cast %get3A_36 : vector<1x16xf32> to vector<16xf32>
      %scan3A_38 = arith.constant 1 : i32
      %scan3A_39 = arith.constant 15 : i32
      %scan3A_40 = arith.addi %scan3A_38, %scan3A_39 : i32
      %scan3A_41 = arith.constant 1 : i32
      %scan3A_42 = scf.for %scan3A_86 = %scan3A_38 to %scan3A_40 step %scan3A_41 iter_args(%scan3A_87 = %get3A_37) -> (vector<16xf32>)  : i32 {
        %eq3A_88 = vector.broadcast %scan3A_86 : i32 to vector<16xi32>
        %eq3A_89 = arith.cmpi eq, %iota3A, %eq3A_88 : vector<16xi32>
        %add3A_90 = arith.constant 48 : i32
        %add3A_91 = arith.addi %add3A_90, %scan3A_86 : i32
        %get3A_92 = arith.index_cast %add3A_91 : i32 to index
        %get3A_93 = arith.constant 0 : index
        %get3A_94 = tpu.vector_load %arg4[%get3A_92, %get3A_93] {strides = array<i32>} : memref<64x16xf32, #tpu.memory_space<vmem>>, vector<1x16xf32>,
        %get3A_95 = vector.shape_cast %get3A_94 : vector<1x16xf32> to vector<16xf32>
        %select_n3A = arith.select %eq3A_89, %get3A_95, %scan3A_87 : vector<16xi1>, vector<16xf32>
        scf.yield %select_n3A : vector<16xf32>
      }
      %scan3A_43 = arith.constant 15 : i32
      %add3A_44 = arith.constant 0 : i32
      %add3A_45 = vector.broadcast %add3A_44 : i32 to vector<16xi32>
      %add3A_46 = arith.addi %iota3A, %add3A_45 : vector<16xi32>
      %add3A_47 = arith.constant 16 : i32
      %add3A_48 = vector.broadcast %add3A_47 : i32 to vector<16xi32>
      %add3A_49 = arith.addi %iota3A, %add3A_48 : vector<16xi32>
      %add3A_50 = arith.constant 32 : i32
      %add3A_51 = vector.broadcast %add3A_50 : i32 to vector<16xi32>
      %add3A_52 = arith.addi %iota3A, %add3A_51 : vector<16xi32>
      %add3A_53 = arith.constant 48 : i32
      %add3A_54 = vector.broadcast %add3A_53 : i32 to vector<16xi32>
      %add3A_55 = arith.addi %iota3A, %add3A_54 : vector<16xi32>
      %broadcast_in_dim3A = arith.constant 0 : i32
      %broadcast_in_dim3A_56 = vector.broadcast %broadcast_in_dim3A : i32 to vector<16xi32>
      %scan3A_57 = arith.constant 0 : i32
      %scan3A_58 = arith.constant 64 : i32
      %scan3A_59 = arith.addi %scan3A_57, %scan3A_58 : i32
      %scan3A_60 = arith.constant 1 : i32
      %scan3A_61:4 = scf.for %scan3A_86 = %scan3A_57 to %scan3A_59 step %scan3A_60 iter_args(%scan3A_87 = %broadcast_in_dim3A_56, %scan3A_88 = %broadcast_in_dim3A_56, %scan3A_89 = %broadcast_in_dim3A_56, %scan3A_90 = %broadcast_in_dim3A_56) -> (vector<16xi32>, vector<16xi32>, vector<16xi32>, vector<16xi32>)  : i32 {
        %get3A_91 = arith.index_cast %scan3A_86 : i32 to index
        %get3A_92 = arith.constant 0 : index
        %get3A_93 = tpu.vector_load %arg4[%get3A_91, %get3A_92] {strides = array<i32>} : memref<64x16xf32, #tpu.memory_space<vmem>>, vector<1x16xf32>,
        %get3A_94 = vector.shape_cast %get3A_93 : vector<1x16xf32> to vector<16xf32>
        %gt3A = arith.cmpf ogt, %get3A_94, %scan3A_9 : vector<16xf32>
        %eq3A_95 = arith.cmpf oeq, %get3A_94, %scan3A_9 : vector<16xf32>
        %lt3A = vector.broadcast %scan3A_86 : i32 to vector<16xi32>
        %lt3A_96 = arith.cmpi slt, %lt3A, %add3A_46 : vector<16xi32>
        %and3A = arith.andi %eq3A_95, %lt3A_96 : vector<16xi1>
        %or3A = arith.ori %gt3A, %and3A : vector<16xi1>
        %jit3A = arith.constant 1 : i32
        %jit3A_97 = arith.constant 0 : i32
        %broadcast_in_dim3A_98 = vector.broadcast %jit3A : i32 to vector<16xi32>
        %broadcast_in_dim3A_99 = vector.broadcast %jit3A_97 : i32 to vector<16xi32>
        %select_n3A = arith.select %or3A, %broadcast_in_dim3A_98, %broadcast_in_dim3A_99 : vector<16xi1>, vector<16xi32>
        %add3A_100 = arith.addi %scan3A_87, %select_n3A : vector<16xi32>
        %gt3A_101 = arith.cmpf ogt, %get3A_94, %scan3A_20 : vector<16xf32>
        %eq3A_102 = arith.cmpf oeq, %get3A_94, %scan3A_20 : vector<16xf32>
        %lt3A_103 = vector.broadcast %scan3A_86 : i32 to vector<16xi32>
        %lt3A_104 = arith.cmpi slt, %lt3A_103, %add3A_49 : vector<16xi32>
        %and3A_105 = arith.andi %eq3A_102, %lt3A_104 : vector<16xi1>
        %or3A_106 = arith.ori %gt3A_101, %and3A_105 : vector<16xi1>
        %jit3A_107 = arith.constant 1 : i32
        %jit3A_108 = arith.constant 0 : i32
        %broadcast_in_dim3A_109 = vector.broadcast %jit3A_107 : i32 to vector<16xi32>
        %broadcast_in_dim3A_110 = vector.broadcast %jit3A_108 : i32 to vector<16xi32>
        %select_n3A_111 = arith.select %or3A_106, %broadcast_in_dim3A_109, %broadcast_in_dim3A_110 : vector<16xi1>, vector<16xi32>
        %add3A_112 = arith.addi %scan3A_88, %select_n3A_111 : vector<16xi32>
        %gt3A_113 = arith.cmpf ogt, %get3A_94, %scan3A_31 : vector<16xf32>
        %eq3A_114 = arith.cmpf oeq, %get3A_94, %scan3A_31 : vector<16xf32>
        %lt3A_115 = vector.broadcast %scan3A_86 : i32 to vector<16xi32>
        %lt3A_116 = arith.cmpi slt, %lt3A_115, %add3A_52 : vector<16xi32>
        %and3A_117 = arith.andi %eq3A_114, %lt3A_116 : vector<16xi1>
        %or3A_118 = arith.ori %gt3A_113, %and3A_117 : vector<16xi1>
        %jit3A_119 = arith.constant 1 : i32
        %jit3A_120 = arith.constant 0 : i32
        %broadcast_in_dim3A_121 = vector.broadcast %jit3A_119 : i32 to vector<16xi32>
        %broadcast_in_dim3A_122 = vector.broadcast %jit3A_120 : i32 to vector<16xi32>
        %select_n3A_123 = arith.select %or3A_118, %broadcast_in_dim3A_121, %broadcast_in_dim3A_122 : vector<16xi1>, vector<16xi32>
        %add3A_124 = arith.addi %scan3A_89, %select_n3A_123 : vector<16xi32>
        %gt3A_125 = arith.cmpf ogt, %get3A_94, %scan3A_42 : vector<16xf32>
        %eq3A_126 = arith.cmpf oeq, %get3A_94, %scan3A_42 : vector<16xf32>
        %lt3A_127 = vector.broadcast %scan3A_86 : i32 to vector<16xi32>
        %lt3A_128 = arith.cmpi slt, %lt3A_127, %add3A_55 : vector<16xi32>
        %and3A_129 = arith.andi %eq3A_126, %lt3A_128 : vector<16xi1>
        %or3A_130 = arith.ori %gt3A_125, %and3A_129 : vector<16xi1>
        %jit3A_131 = arith.constant 1 : i32
        %jit3A_132 = arith.constant 0 : i32
        %broadcast_in_dim3A_133 = vector.broadcast %jit3A_131 : i32 to vector<16xi32>
        %broadcast_in_dim3A_134 = vector.broadcast %jit3A_132 : i32 to vector<16xi32>
        %select_n3A_135 = arith.select %or3A_130, %broadcast_in_dim3A_133, %broadcast_in_dim3A_134 : vector<16xi1>, vector<16xi32>
        %add3A_136 = arith.addi %scan3A_90, %select_n3A_135 : vector<16xi32>
        scf.yield %add3A_100, %add3A_112, %add3A_124, %add3A_136 : vector<16xi32>, vector<16xi32>, vector<16xi32>, vector<16xi32>
      }
      %scan3A_62 = arith.constant 64 : i32
      %swap3A = arith.constant 0 : i32
      %swap3A_63 = arith.index_cast %swap3A : i32 to index
      %swap3A_64 = arith.constant 0 : index
      %swap3A_65 = tpu.vector_load %arg5[%swap3A_63, %swap3A_64] {strides = array<i32>} : memref<1x64xi32, #tpu.memory_space<vmem>>, vector<1x16xi32>,
      %swap3A_66 = vector.shape_cast %swap3A_65 : vector<1x16xi32> to vector<16xi32>
      %swap3A_67 = vector.shape_cast %scan3A_61#0 : vector<16xi32> to vector<1x16xi32>
      tpu.vector_store %arg5[%swap3A_63, %swap3A_64], %swap3A_67 {strides = array<i32>} : memref<1x64xi32, #tpu.memory_space<vmem>>, vector<1x16xi32>,
      %swap3A_68 = arith.constant 0 : i32
      %swap3A_69 = arith.index_cast %swap3A_68 : i32 to index
      %swap3A_70 = arith.constant 16 : index
      %swap3A_71 = tpu.vector_load %arg5[%swap3A_69, %swap3A_70] {strides = array<i32>} : memref<1x64xi32, #tpu.memory_space<vmem>>, vector<1x16xi32>,
      %swap3A_72 = vector.shape_cast %swap3A_71 : vector<1x16xi32> to vector<16xi32>
      %swap3A_73 = vector.shape_cast %scan3A_61#1 : vector<16xi32> to vector<1x16xi32>
      tpu.vector_store %arg5[%swap3A_69, %swap3A_70], %swap3A_73 {strides = array<i32>} : memref<1x64xi32, #tpu.memory_space<vmem>>, vector<1x16xi32>,
      %swap3A_74 = arith.constant 0 : i32
      %swap3A_75 = arith.index_cast %swap3A_74 : i32 to index
      %swap3A_76 = arith.constant 32 : index
      %swap3A_77 = tpu.vector_load %arg5[%swap3A_75, %swap3A_76] {strides = array<i32>} : memref<1x64xi32, #tpu.memory_space<vmem>>, vector<1x16xi32>,
      %swap3A_78 = vector.shape_cast %swap3A_77 : vector<1x16xi32> to vector<16xi32>
      %swap3A_79 = vector.shape_cast %scan3A_61#2 : vector<16xi32> to vector<1x16xi32>
      tpu.vector_store %arg5[%swap3A_75, %swap3A_76], %swap3A_79 {strides = array<i32>} : memref<1x64xi32, #tpu.memory_space<vmem>>, vector<1x16xi32>,
      %swap3A_80 = arith.constant 0 : i32
      %swap3A_81 = arith.index_cast %swap3A_80 : i32 to index
      %swap3A_82 = arith.constant 48 : index
      %swap3A_83 = tpu.vector_load %arg5[%swap3A_81, %swap3A_82] {strides = array<i32>} : memref<1x64xi32, #tpu.memory_space<vmem>>, vector<1x16xi32>,
      %swap3A_84 = vector.shape_cast %swap3A_83 : vector<1x16xi32> to vector<16xi32>
      %swap3A_85 = vector.shape_cast %scan3A_61#3 : vector<16xi32> to vector<1x16xi32>
      tpu.vector_store %arg5[%swap3A_81, %swap3A_82], %swap3A_85 {strides = array<i32>} : memref<1x64xi32, #tpu.memory_space<vmem>>, vector<1x16xi32>,
      "tpu.region"() ({
        %run_scoped3A = tpu.sem_alloc : memref<!tpu.dma_semaphore, #tpu.memory_space<semaphore_mem>>
        tpu.enqueue_dma source(%arg5 : memref<1x64xi32, #tpu.memory_space<vmem>>) target(%arg3 : memref<1x64xi32, #tpu.memory_space<hbm>>) target_semaphore(%run_scoped3A : memref<!tpu.dma_semaphore, #tpu.memory_space<semaphore_mem>>)
        tpu.wait_dma2 semaphore(%run_scoped3A : memref<!tpu.dma_semaphore, #tpu.memory_space<semaphore_mem>>) src(%arg5 : memref<1x64xi32, #tpu.memory_space<vmem>>) dst(%arg3 : memref<1x64xi32, #tpu.memory_space<hbm>>)
        tpu.yield
      }) : () -> ()
    } else {
    }
    return
  }
}

module attributes {stable_mosaic.version = 14 : i64} {
  func.func @_combine_body(%arg0: memref<1x64xi32, #tpu.memory_space<vmem>>, %arg1: memref<4x16xi32, #tpu.memory_space<vmem>>, %arg2: memref<4x64xi32, #tpu.memory_space<vmem>>) attributes {dimension_semantics = [], scalar_prefetch = 0 : i64, scratch_operands = 0 : i64, tpu.core_type = #tpu.core_type<tc>} {
    %get3A = arith.constant 0 : index
    %get3A_0 = arith.constant 0 : index
    %get3A_1 = vector.load %arg1[%get3A, %get3A_0] : memref<4x16xi32, #tpu.memory_space<vmem>>, vector<4x16xi32>
    %concatenate3A = tpu.concatenate %get3A_1, %get3A_1, %get3A_1, %get3A_1 in 1 : vector<4x16xi32>, vector<4x16xi32>, vector<4x16xi32>, vector<4x16xi32> -> vector<4x64xi32>
    %get3A_2 = arith.constant 0 : index
    %get3A_3 = arith.constant 0 : index
    %get3A_4 = vector.load %arg0[%get3A_2, %get3A_3] : memref<1x64xi32, #tpu.memory_space<vmem>>, vector<1x64xi32>
    %broadcast_in_dim3A = vector.shape_cast %get3A_4 : vector<1x64xi32> to vector<1x64xi32>
    %broadcast_in_dim3A_5 = vector.broadcast %broadcast_in_dim3A : vector<1x64xi32> to vector<4x64xi32>
    %lt3A = arith.cmpi slt, %broadcast_in_dim3A_5, %concatenate3A : vector<4x64xi32>
    %swap3A = arith.constant 0 : index
    %swap3A_6 = arith.constant 0 : index
    %swap3A_7 = vector.load %arg2[%swap3A, %swap3A_6] : memref<4x64xi32, #tpu.memory_space<vmem>>, vector<4x64xi32>
    %swap3A_8 = arith.extui %lt3A : vector<4x64xi1> to vector<4x64xi32>
    %swap3A_9 = arith.constant dense<0> : vector<4x64xi32>
    %swap3A_10 = arith.cmpi ne, %swap3A_7, %swap3A_9 : vector<4x64xi32>
    tpu.vector_store %arg2[%swap3A, %swap3A_6], %swap3A_8 {strides = array<i32>} : memref<4x64xi32, #tpu.memory_space<vmem>>, vector<4x64xi32>,
    return
  }
}

module attributes {stable_mosaic.version = 14 : i64} {
  func.func @_imp_body(%arg0: memref<64x256xf32, #tpu.memory_space<vmem>>, %arg1: memref<128x256xf32, #tpu.memory_space<vmem>>, %arg2: memref<128xf32, #tpu.memory_space<vmem>>, %arg3: memref<1x128xf32, #tpu.memory_space<vmem>>, %arg4: memref<1xf32, #tpu.memory_space<smem>>, %arg5: memref<1xf32, #tpu.memory_space<smem>>, %arg6: memref<64x16xf32, #tpu.memory_space<vmem>>) attributes {dimension_semantics = [], scalar_prefetch = 0 : i64, scratch_operands = 0 : i64, tpu.core_type = #tpu.core_type<tc>} {
    %get3A = arith.constant 0 : index
    %get3A_0 = arith.constant 0 : index
    %get3A_1 = vector.load %arg0[%get3A, %get3A_0] : memref<64x256xf32, #tpu.memory_space<vmem>>, vector<64x256xf32>
    %get3A_2 = arith.constant 0 : index
    %get3A_3 = arith.constant 0 : index
    %get3A_4 = vector.load %arg1[%get3A_2, %get3A_3] : memref<128x256xf32, #tpu.memory_space<vmem>>, vector<128x256xf32>
    %dot_general3A = arith.constant dense<0.000000e+00> : vector<64x128xf32>
    %dot_general3A_5 = tpu.matmul %get3A_1, %get3A_4, %dot_general3A {dimension_numbers = #tpu.dot_dimension_numbers<[1], [1], [0], [0], [0, 0, 1, 0], [], []>, transpose_lhs_hint = false} : vector<64x256xf32>, vector<128x256xf32>, vector<64x128xf32> -> vector<64x128xf32>
    %get3A_6 = arith.constant 0 : index
    %get3A_7 = vector.load %arg2[%get3A_6] : memref<128xf32, #tpu.memory_space<vmem>>, vector<128xf32>
    %broadcast_in_dim3A = vector.shape_cast %get3A_7 : vector<128xf32> to vector<1x128xf32>
    %add3A = vector.broadcast %broadcast_in_dim3A : vector<1x128xf32> to vector<64x128xf32>
    %add3A_8 = arith.addf %dot_general3A_5, %add3A : vector<64x128xf32>
    %max3A = arith.constant 0.000000e+00 : f32
    %max3A_9 = vector.broadcast %max3A : f32 to vector<64x128xf32>
    %max3A_10 = arith.maximumf %add3A_8, %max3A_9 : vector<64x128xf32>
    %get3A_11 = arith.constant 0 : index
    %get3A_12 = arith.constant 0 : index
    %get3A_13 = vector.load %arg3[%get3A_11, %get3A_12] : memref<1x128xf32, #tpu.memory_space<vmem>>, vector<1x128xf32>
    %broadcast_in_dim3A_14 = vector.shape_cast %get3A_13 : vector<1x128xf32> to vector<1x128xf32>
    %broadcast_in_dim3A_15 = vector.broadcast %broadcast_in_dim3A_14 : vector<1x128xf32> to vector<16x128xf32>
    %dot_general3A_16 = arith.constant dense<0.000000e+00> : vector<64x16xf32>
    %dot_general3A_17 = tpu.matmul %max3A_10, %broadcast_in_dim3A_15, %dot_general3A_16 {dimension_numbers = #tpu.dot_dimension_numbers<[1], [1], [0], [0], [0, 0, 1, 0], [], []>, transpose_lhs_hint = false} : vector<64x128xf32>, vector<16x128xf32>, vector<64x16xf32> -> vector<64x16xf32>
    %get3A_18 = arith.constant 0 : index
    %get3A_19 = memref.load %arg4[%get3A_18] : memref<1xf32, #tpu.memory_space<smem>>
    %add3A_20 = vector.broadcast %get3A_19 : f32 to vector<64x16xf32>
    %add3A_21 = arith.addf %dot_general3A_17, %add3A_20 : vector<64x16xf32>
    %get3A_22 = arith.constant 0 : index
    %get3A_23 = memref.load %arg5[%get3A_22] : memref<1xf32, #tpu.memory_space<smem>>
    %abs3A = math.absf %get3A_23 : f32
    %max3A_24 = arith.constant 1.000000e-01 : f32
    %max3A_25 = arith.maximumf %abs3A, %max3A_24 : f32
    %div3A = vector.broadcast %max3A_25 : f32 to vector<64x16xf32>
    %div3A_26 = arith.divf %add3A_21, %div3A : vector<64x16xf32>
    %reduce_max3A = arith.constant dense<0xFF800000> : vector<16xf32>
    %reduce_max3A_27 = vector.multi_reduction <maximumf>, %div3A_26, %reduce_max3A [0] : vector<64x16xf32> to vector<16xf32>
    %max3A_28 = arith.constant 0xFF800000 : f32
    %max3A_29 = vector.broadcast %max3A_28 : f32 to vector<16xf32>
    %max3A_30 = arith.maximumf %max3A_29, %reduce_max3A_27 : vector<16xf32>
    %broadcast_in_dim3A_31 = vector.shape_cast %max3A_30 : vector<16xf32> to vector<1x16xf32>
    %sub3A = vector.broadcast %broadcast_in_dim3A_31 : vector<1x16xf32> to vector<64x16xf32>
    %sub3A_32 = arith.subf %div3A_26, %sub3A : vector<64x16xf32>
    %exp3A = math.exp %sub3A_32 : vector<64x16xf32>
    %reduce_sum3A = arith.constant dense<0.000000e+00> : vector<16xf32>
    %reduce_sum3A_33 = vector.multi_reduction <add>, %exp3A, %reduce_sum3A [0] : vector<64x16xf32> to vector<16xf32>
    %broadcast_in_dim3A_34 = vector.shape_cast %reduce_sum3A_33 : vector<16xf32> to vector<1x16xf32>
    %div3A_35 = vector.broadcast %broadcast_in_dim3A_34 : vector<1x16xf32> to vector<64x16xf32>
    %div3A_36 = arith.divf %exp3A, %div3A_35 : vector<64x16xf32>
    %swap3A = arith.constant 0 : index
    %swap3A_37 = arith.constant 0 : index
    %swap3A_38 = vector.load %arg6[%swap3A, %swap3A_37] : memref<64x16xf32, #tpu.memory_space<vmem>>, vector<64x16xf32>
    tpu.vector_store %arg6[%swap3A, %swap3A_37], %div3A_36 {strides = array<i32>} : memref<64x16xf32, #tpu.memory_space<vmem>>, vector<64x16xf32>,
    return
  }
}

module attributes {stable_mosaic.version = 14 : i64} {
  func.func @body(%arg0: memref<32768x2048xf32, #tpu.memory_space<any>>, %arg1: memref<64x256xf32, #tpu.memory_space<vmem>>, %arg2: memref<256x2048xf32, #tpu.memory_space<vmem>>, %arg3: memref<256xf32, #tpu.memory_space<vmem>>, %arg4: memref<128x256xf32, #tpu.memory_space<vmem>>, %arg5: memref<128xf32, #tpu.memory_space<vmem>>, %arg6: memref<1x128xf32, #tpu.memory_space<vmem>>, %arg7: memref<1xf32, #tpu.memory_space<smem>>, %arg8: memref<4x64x256xf32, #tpu.memory_space<vmem>>, %arg9: memref<4x16xi32, #tpu.memory_space<vmem>>, %arg10: memref<4x1024x2048xf32, #tpu.memory_space<vmem>>, %arg11: memref<4x!tpu.dma_semaphore, #tpu.memory_space<semaphore_mem>>) attributes {dimension_semantics = [], scalar_prefetch = 0 : i64, scratch_operands = 2 : i64, tpu.core_type = #tpu.core_type<tc>} {
    %dma_start3A = arith.constant 0 : i32
    %dma_start3A_0 = arith.constant 0 : i32
    %dma_start3A_1 = tpu.memref_slice %arg11[%dma_start3A_0] : memref<4x!tpu.dma_semaphore, #tpu.memory_space<semaphore_mem>> -> memref<1x!tpu.dma_semaphore, #tpu.memory_space<semaphore_mem>>
    %dma_start3A_2 = tpu.memref_squeeze %dma_start3A_1 : memref<1x!tpu.dma_semaphore, #tpu.memory_space<semaphore_mem>> -> memref<!tpu.dma_semaphore, #tpu.memory_space<semaphore_mem>>
    %dma_start3A_3 = arith.constant 0 : i32
    %dma_start3A_4 = arith.constant 0 : i32
    %dma_start3A_5 = tpu.memref_slice %arg10[%dma_start3A, %dma_start3A_3, %dma_start3A_4] : memref<4x1024x2048xf32, #tpu.memory_space<vmem>> -> memref<1x1024x2048xf32, #tpu.memory_space<vmem>>
    %dma_start3A_6 = tpu.memref_squeeze %dma_start3A_5 : memref<1x1024x2048xf32, #tpu.memory_space<vmem>> -> memref<1024x2048xf32, #tpu.memory_space<vmem>>
    %dma_start3A_7 = arith.constant 0 : i32
    %dma_start3A_8 = arith.constant 0 : i32
    %dma_start3A_9 = tpu.memref_slice %arg0[%dma_start3A_7, %dma_start3A_8] : memref<32768x2048xf32, #tpu.memory_space<any>> -> memref<1024x2048xf32, #tpu.memory_space<any>>
    tpu.enqueue_dma source(%dma_start3A_9 : memref<1024x2048xf32, #tpu.memory_space<any>>) target(%dma_start3A_6 : memref<1024x2048xf32, #tpu.memory_space<vmem>>) target_semaphore(%dma_start3A_2 : memref<!tpu.dma_semaphore, #tpu.memory_space<semaphore_mem>>)
    %dma_start3A_10 = arith.constant 1 : i32
    %dma_start3A_11 = arith.constant 1 : i32
    %dma_start3A_12 = tpu.memref_slice %arg11[%dma_start3A_11] : memref<4x!tpu.dma_semaphore, #tpu.memory_space<semaphore_mem>> -> memref<1x!tpu.dma_semaphore, #tpu.memory_space<semaphore_mem>>
    %dma_start3A_13 = tpu.memref_squeeze %dma_start3A_12 : memref<1x!tpu.dma_semaphore, #tpu.memory_space<semaphore_mem>> -> memref<!tpu.dma_semaphore, #tpu.memory_space<semaphore_mem>>
    %dma_start3A_14 = arith.constant 0 : i32
    %dma_start3A_15 = arith.constant 0 : i32
    %dma_start3A_16 = tpu.memref_slice %arg10[%dma_start3A_10, %dma_start3A_14, %dma_start3A_15] : memref<4x1024x2048xf32, #tpu.memory_space<vmem>> -> memref<1x1024x2048xf32, #tpu.memory_space<vmem>>
    %dma_start3A_17 = tpu.memref_squeeze %dma_start3A_16 : memref<1x1024x2048xf32, #tpu.memory_space<vmem>> -> memref<1024x2048xf32, #tpu.memory_space<vmem>>
    %dma_start3A_18 = arith.constant 1024 : i32
    %dma_start3A_19 = arith.constant 0 : i32
    %dma_start3A_20 = tpu.memref_slice %arg0[%dma_start3A_18, %dma_start3A_19] : memref<32768x2048xf32, #tpu.memory_space<any>> -> memref<1024x2048xf32, #tpu.memory_space<any>>
    tpu.enqueue_dma source(%dma_start3A_20 : memref<1024x2048xf32, #tpu.memory_space<any>>) target(%dma_start3A_17 : memref<1024x2048xf32, #tpu.memory_space<vmem>>) target_semaphore(%dma_start3A_13 : memref<!tpu.dma_semaphore, #tpu.memory_space<semaphore_mem>>)
    %dma_start3A_21 = arith.constant 2 : i32
    %dma_start3A_22 = arith.constant 2 : i32
    %dma_start3A_23 = tpu.memref_slice %arg11[%dma_start3A_22] : memref<4x!tpu.dma_semaphore, #tpu.memory_space<semaphore_mem>> -> memref<1x!tpu.dma_semaphore, #tpu.memory_space<semaphore_mem>>
    %dma_start3A_24 = tpu.memref_squeeze %dma_start3A_23 : memref<1x!tpu.dma_semaphore, #tpu.memory_space<semaphore_mem>> -> memref<!tpu.dma_semaphore, #tpu.memory_space<semaphore_mem>>
    %dma_start3A_25 = arith.constant 0 : i32
    %dma_start3A_26 = arith.constant 0 : i32
    %dma_start3A_27 = tpu.memref_slice %arg10[%dma_start3A_21, %dma_start3A_25, %dma_start3A_26] : memref<4x1024x2048xf32, #tpu.memory_space<vmem>> -> memref<1x1024x2048xf32, #tpu.memory_space<vmem>>
    %dma_start3A_28 = tpu.memref_squeeze %dma_start3A_27 : memref<1x1024x2048xf32, #tpu.memory_space<vmem>> -> memref<1024x2048xf32, #tpu.memory_space<vmem>>
    %dma_start3A_29 = arith.constant 2048 : i32
    %dma_start3A_30 = arith.constant 0 : i32
    %dma_start3A_31 = tpu.memref_slice %arg0[%dma_start3A_29, %dma_start3A_30] : memref<32768x2048xf32, #tpu.memory_space<any>> -> memref<1024x2048xf32, #tpu.memory_space<any>>
    tpu.enqueue_dma source(%dma_start3A_31 : memref<1024x2048xf32, #tpu.memory_space<any>>) target(%dma_start3A_28 : memref<1024x2048xf32, #tpu.memory_space<vmem>>) target_semaphore(%dma_start3A_24 : memref<!tpu.dma_semaphore, #tpu.memory_space<semaphore_mem>>)
    %dma_start3A_32 = arith.constant 3 : i32
    %dma_start3A_33 = arith.constant 3 : i32
    %dma_start3A_34 = tpu.memref_slice %arg11[%dma_start3A_33] : memref<4x!tpu.dma_semaphore, #tpu.memory_space<semaphore_mem>> -> memref<1x!tpu.dma_semaphore, #tpu.memory_space<semaphore_mem>>
    %dma_start3A_35 = tpu.memref_squeeze %dma_start3A_34 : memref<1x!tpu.dma_semaphore, #tpu.memory_space<semaphore_mem>> -> memref<!tpu.dma_semaphore, #tpu.memory_space<semaphore_mem>>
    %dma_start3A_36 = arith.constant 0 : i32
    %dma_start3A_37 = arith.constant 0 : i32
    %dma_start3A_38 = tpu.memref_slice %arg10[%dma_start3A_32, %dma_start3A_36, %dma_start3A_37] : memref<4x1024x2048xf32, #tpu.memory_space<vmem>> -> memref<1x1024x2048xf32, #tpu.memory_space<vmem>>
    %dma_start3A_39 = tpu.memref_squeeze %dma_start3A_38 : memref<1x1024x2048xf32, #tpu.memory_space<vmem>> -> memref<1024x2048xf32, #tpu.memory_space<vmem>>
    %dma_start3A_40 = arith.constant 3072 : i32
    %dma_start3A_41 = arith.constant 0 : i32
    %dma_start3A_42 = tpu.memref_slice %arg0[%dma_start3A_40, %dma_start3A_41] : memref<32768x2048xf32, #tpu.memory_space<any>> -> memref<1024x2048xf32, #tpu.memory_space<any>>
    tpu.enqueue_dma source(%dma_start3A_42 : memref<1024x2048xf32, #tpu.memory_space<any>>) target(%dma_start3A_39 : memref<1024x2048xf32, #tpu.memory_space<vmem>>) target_semaphore(%dma_start3A_35 : memref<!tpu.dma_semaphore, #tpu.memory_space<semaphore_mem>>)
    %iota3A = tpu.iota {dimensions = array<i32: 0>} : vector<8x1xi32>
    %broadcast_in_dim3A = arith.constant 0.000000e+00 : f32
    %broadcast_in_dim3A_43 = vector.broadcast %broadcast_in_dim3A : f32 to vector<8x2048xf32>
    %scan3A = arith.constant 0 : i32
    %scan3A_44 = arith.constant 8 : i32
    %scan3A_45 = arith.addi %scan3A, %scan3A_44 : i32
    %scan3A_46 = arith.constant 1 : i32
    %scan3A_47 = scf.for %scan3A_113 = %scan3A to %scan3A_45 step %scan3A_46 iter_args(%scan3A_114 = %broadcast_in_dim3A_43) -> (vector<8x2048xf32>)  : i32 {
      %mul3A_115 = arith.constant 4 : i32
      %mul3A_116 = arith.muli %scan3A_113, %mul3A_115 : i32
      %add3A_117 = arith.constant 0 : i32
      %add3A_118 = arith.addi %mul3A_116, %add3A_117 : i32
      %dma_wait3A = arith.constant 0 : i32
      %dma_wait3A_119 = arith.constant 0 : i32
      %dma_wait3A_120 = tpu.memref_slice %arg11[%dma_wait3A_119] : memref<4x!tpu.dma_semaphore, #tpu.memory_space<semaphore_mem>> -> memref<1x!tpu.dma_semaphore, #tpu.memory_space<semaphore_mem>>
      %dma_wait3A_121 = tpu.memref_squeeze %dma_wait3A_120 : memref<1x!tpu.dma_semaphore, #tpu.memory_space<semaphore_mem>> -> memref<!tpu.dma_semaphore, #tpu.memory_space<semaphore_mem>>
      %dma_wait3A_122 = arith.constant 0 : i32
      %dma_wait3A_123 = arith.constant 0 : i32
      %dma_wait3A_124 = tpu.memref_slice %arg10[%dma_wait3A, %dma_wait3A_122, %dma_wait3A_123] : memref<4x1024x2048xf32, #tpu.memory_space<vmem>> -> memref<1x1024x2048xf32, #tpu.memory_space<vmem>>
      %dma_wait3A_125 = tpu.memref_squeeze %dma_wait3A_124 : memref<1x1024x2048xf32, #tpu.memory_space<vmem>> -> memref<1024x2048xf32, #tpu.memory_space<vmem>>
      %dma_wait3A_126 = arith.constant 0 : i32
      %dma_wait3A_127 = arith.constant 0 : i32
      %dma_wait3A_128 = tpu.memref_slice %arg0[%dma_wait3A_126, %dma_wait3A_127] : memref<32768x2048xf32, #tpu.memory_space<any>> -> memref<1024x2048xf32, #tpu.memory_space<any>>
      tpu.wait_dma2 semaphore(%dma_wait3A_121 : memref<!tpu.dma_semaphore, #tpu.memory_space<semaphore_mem>>) src(%dma_wait3A_128 : memref<1024x2048xf32, #tpu.memory_space<any>>) dst(%dma_wait3A_125 : memref<1024x2048xf32, #tpu.memory_space<vmem>>)
      %add3A_129 = arith.constant 4 : i32
      %add3A_130 = arith.addi %add3A_118, %add3A_129 : i32
      %lt3A = arith.constant 32 : i32
      %lt3A_131 = arith.cmpi slt, %add3A_130, %lt3A : i32
      %convert_element_type3A_132 = arith.extui %lt3A_131 : i1 to i32
      %cond3A = arith.constant 0 : i32
      %cond3A_133 = arith.cmpi ne, %convert_element_type3A_132, %cond3A : i32
      scf.if %cond3A_133 {
        %add3A_351 = arith.constant 4 : i32
        %add3A_352 = arith.addi %add3A_118, %add3A_351 : i32
        %mul3A_353 = arith.constant 1024 : i32
        %mul3A_354 = arith.muli %add3A_352, %mul3A_353 : i32
        %dma_start3A_355 = arith.constant 0 : i32
        %dma_start3A_356 = arith.constant 0 : i32
        %dma_start3A_357 = tpu.memref_slice %arg11[%dma_start3A_356] : memref<4x!tpu.dma_semaphore, #tpu.memory_space<semaphore_mem>> -> memref<1x!tpu.dma_semaphore, #tpu.memory_space<semaphore_mem>>
        %dma_start3A_358 = tpu.memref_squeeze %dma_start3A_357 : memref<1x!tpu.dma_semaphore, #tpu.memory_space<semaphore_mem>> -> memref<!tpu.dma_semaphore, #tpu.memory_space<semaphore_mem>>
        %dma_start3A_359 = arith.constant 0 : i32
        %dma_start3A_360 = arith.constant 0 : i32
        %dma_start3A_361 = tpu.memref_slice %arg10[%dma_start3A_355, %dma_start3A_359, %dma_start3A_360] : memref<4x1024x2048xf32, #tpu.memory_space<vmem>> -> memref<1x1024x2048xf32, #tpu.memory_space<vmem>>
        %dma_start3A_362 = tpu.memref_squeeze %dma_start3A_361 : memref<1x1024x2048xf32, #tpu.memory_space<vmem>> -> memref<1024x2048xf32, #tpu.memory_space<vmem>>
        %dma_start3A_363 = arith.constant 0 : i32
        %dma_start3A_364 = tpu.memref_slice %arg0[%mul3A_354, %dma_start3A_363] : memref<32768x2048xf32, #tpu.memory_space<any>> -> memref<1024x2048xf32, #tpu.memory_space<any>>
        tpu.enqueue_dma source(%dma_start3A_364 : memref<1024x2048xf32, #tpu.memory_space<any>>) target(%dma_start3A_362 : memref<1024x2048xf32, #tpu.memory_space<vmem>>) target_semaphore(%dma_start3A_358 : memref<!tpu.dma_semaphore, #tpu.memory_space<semaphore_mem>>)
      } else {
      }
      %get3A_134 = arith.constant 0 : index
      %get3A_135 = arith.constant 0 : index
      %get3A_136 = arith.constant 0 : index
      %get3A_137 = vector.load %arg10[%get3A_134, %get3A_135, %get3A_136] : memref<4x1024x2048xf32, #tpu.memory_space<vmem>>, vector<1x1024x2048xf32>
      %get3A_138 = vector.shape_cast %get3A_137 : vector<1x1024x2048xf32> to vector<1024x2048xf32>
      %reduce_sum3A = arith.constant dense<0.000000e+00> : vector<2048xf32>
      %reduce_sum3A_139 = vector.multi_reduction <add>, %get3A_138, %reduce_sum3A [0] : vector<1024x2048xf32> to vector<2048xf32>
      %jit3A_140 = arith.constant 8 : i32
      %div3A = arith.divsi %add3A_118, %jit3A_140 : i32
      %sign3A = arith.constant 0 : i32
      %sign3A_141 = arith.cmpi sgt, %add3A_118, %sign3A : i32
      %sign3A_142 = arith.extui %sign3A_141 : i1 to i32
      %sign3A_143 = arith.constant 0 : i32
      %sign3A_144 = arith.cmpi slt, %add3A_118, %sign3A_143 : i32
      %sign3A_145 = arith.extui %sign3A_144 : i1 to i32
      %sign3A_146 = arith.subi %sign3A_142, %sign3A_145 : i32
      %sign3A_147 = arith.constant 0 : i32
      %sign3A_148 = arith.cmpi sgt, %jit3A_140, %sign3A_147 : i32
      %sign3A_149 = arith.extui %sign3A_148 : i1 to i32
      %sign3A_150 = arith.constant 0 : i32
      %sign3A_151 = arith.cmpi slt, %jit3A_140, %sign3A_150 : i32
      %sign3A_152 = arith.extui %sign3A_151 : i1 to i32
      %sign3A_153 = arith.subi %sign3A_149, %sign3A_152 : i32
      %ne3A = arith.cmpi ne, %sign3A_146, %sign3A_153 : i32
      %rem3A = arith.remsi %add3A_118, %jit3A_140 : i32
      %ne3A_154 = arith.constant 0 : i32
      %ne3A_155 = arith.cmpi ne, %rem3A, %ne3A_154 : i32
      %and3A = arith.andi %ne3A, %ne3A_155 : i1
      %sub3A = arith.constant 1 : i32
      %sub3A_156 = arith.subi %div3A, %sub3A : i32
      %select_n3A = arith.select %and3A, %sub3A_156, %div3A : i32
      %eq3A = vector.broadcast %select_n3A : i32 to vector<8x1xi32>
      %eq3A_157 = arith.cmpi eq, %iota3A, %eq3A : vector<8x1xi32>
      %convert_element_type3A_158 = arith.extui %eq3A_157 : vector<8x1xi1> to vector<8x1xi32>
      %convert_element_type3A_159 = arith.sitofp %convert_element_type3A_158 : vector<8x1xi32> to vector<8x1xf32>
      %broadcast_in_dim3A_160 = vector.shape_cast %reduce_sum3A_139 : vector<2048xf32> to vector<1x2048xf32>
      %mul3A_161 = vector.broadcast %convert_element_type3A_159 : vector<8x1xf32> to vector<8x2048xf32>
      %mul3A_162 = vector.broadcast %broadcast_in_dim3A_160 : vector<1x2048xf32> to vector<8x2048xf32>
      %mul3A_163 = arith.mulf %mul3A_161, %mul3A_162 : vector<8x2048xf32>
      %add3A_164 = arith.addf %scan3A_114, %mul3A_163 : vector<8x2048xf32>
      %mul3A_165 = arith.constant 4 : i32
      %mul3A_166 = arith.muli %scan3A_113, %mul3A_165 : i32
      %add3A_167 = arith.constant 1 : i32
      %add3A_168 = arith.addi %mul3A_166, %add3A_167 : i32
      %dma_wait3A_169 = arith.constant 1 : i32
      %dma_wait3A_170 = arith.constant 1 : i32
      %dma_wait3A_171 = tpu.memref_slice %arg11[%dma_wait3A_170] : memref<4x!tpu.dma_semaphore, #tpu.memory_space<semaphore_mem>> -> memref<1x!tpu.dma_semaphore, #tpu.memory_space<semaphore_mem>>
      %dma_wait3A_172 = tpu.memref_squeeze %dma_wait3A_171 : memref<1x!tpu.dma_semaphore, #tpu.memory_space<semaphore_mem>> -> memref<!tpu.dma_semaphore, #tpu.memory_space<semaphore_mem>>
      %dma_wait3A_173 = arith.constant 0 : i32
      %dma_wait3A_174 = arith.constant 0 : i32
      %dma_wait3A_175 = tpu.memref_slice %arg10[%dma_wait3A_169, %dma_wait3A_173, %dma_wait3A_174] : memref<4x1024x2048xf32, #tpu.memory_space<vmem>> -> memref<1x1024x2048xf32, #tpu.memory_space<vmem>>
      %dma_wait3A_176 = tpu.memref_squeeze %dma_wait3A_175 : memref<1x1024x2048xf32, #tpu.memory_space<vmem>> -> memref<1024x2048xf32, #tpu.memory_space<vmem>>
      %dma_wait3A_177 = arith.constant 0 : i32
      %dma_wait3A_178 = arith.constant 0 : i32
      %dma_wait3A_179 = tpu.memref_slice %arg0[%dma_wait3A_177, %dma_wait3A_178] : memref<32768x2048xf32, #tpu.memory_space<any>> -> memref<1024x2048xf32, #tpu.memory_space<any>>
      tpu.wait_dma2 semaphore(%dma_wait3A_172 : memref<!tpu.dma_semaphore, #tpu.memory_space<semaphore_mem>>) src(%dma_wait3A_179 : memref<1024x2048xf32, #tpu.memory_space<any>>) dst(%dma_wait3A_176 : memref<1024x2048xf32, #tpu.memory_space<vmem>>)
      %add3A_180 = arith.constant 4 : i32
      %add3A_181 = arith.addi %add3A_168, %add3A_180 : i32
      %lt3A_182 = arith.constant 32 : i32
      %lt3A_183 = arith.cmpi slt, %add3A_181, %lt3A_182 : i32
      %convert_element_type3A_184 = arith.extui %lt3A_183 : i1 to i32
      %cond3A_185 = arith.constant 0 : i32
      %cond3A_186 = arith.cmpi ne, %convert_element_type3A_184, %cond3A_185 : i32
      scf.if %cond3A_186 {
        %add3A_351 = arith.constant 4 : i32
        %add3A_352 = arith.addi %add3A_168, %add3A_351 : i32
        %mul3A_353 = arith.constant 1024 : i32
        %mul3A_354 = arith.muli %add3A_352, %mul3A_353 : i32
        %dma_start3A_355 = arith.constant 1 : i32
        %dma_start3A_356 = arith.constant 1 : i32
        %dma_start3A_357 = tpu.memref_slice %arg11[%dma_start3A_356] : memref<4x!tpu.dma_semaphore, #tpu.memory_space<semaphore_mem>> -> memref<1x!tpu.dma_semaphore, #tpu.memory_space<semaphore_mem>>
        %dma_start3A_358 = tpu.memref_squeeze %dma_start3A_357 : memref<1x!tpu.dma_semaphore, #tpu.memory_space<semaphore_mem>> -> memref<!tpu.dma_semaphore, #tpu.memory_space<semaphore_mem>>
        %dma_start3A_359 = arith.constant 0 : i32
        %dma_start3A_360 = arith.constant 0 : i32
        %dma_start3A_361 = tpu.memref_slice %arg10[%dma_start3A_355, %dma_start3A_359, %dma_start3A_360] : memref<4x1024x2048xf32, #tpu.memory_space<vmem>> -> memref<1x1024x2048xf32, #tpu.memory_space<vmem>>
        %dma_start3A_362 = tpu.memref_squeeze %dma_start3A_361 : memref<1x1024x2048xf32, #tpu.memory_space<vmem>> -> memref<1024x2048xf32, #tpu.memory_space<vmem>>
        %dma_start3A_363 = arith.constant 0 : i32
        %dma_start3A_364 = tpu.memref_slice %arg0[%mul3A_354, %dma_start3A_363] : memref<32768x2048xf32, #tpu.memory_space<any>> -> memref<1024x2048xf32, #tpu.memory_space<any>>
        tpu.enqueue_dma source(%dma_start3A_364 : memref<1024x2048xf32, #tpu.memory_space<any>>) target(%dma_start3A_362 : memref<1024x2048xf32, #tpu.memory_space<vmem>>) target_semaphore(%dma_start3A_358 : memref<!tpu.dma_semaphore, #tpu.memory_space<semaphore_mem>>)
      } else {
      }
      %get3A_187 = arith.constant 1 : index
      %get3A_188 = arith.constant 0 : index
      %get3A_189 = arith.constant 0 : index
      %get3A_190 = vector.load %arg10[%get3A_187, %get3A_188, %get3A_189] : memref<4x1024x2048xf32, #tpu.memory_space<vmem>>, vector<1x1024x2048xf32>
      %get3A_191 = vector.shape_cast %get3A_190 : vector<1x1024x2048xf32> to vector<1024x2048xf32>
      %reduce_sum3A_192 = arith.constant dense<0.000000e+00> : vector<2048xf32>
      %reduce_sum3A_193 = vector.multi_reduction <add>, %get3A_191, %reduce_sum3A_192 [0] : vector<1024x2048xf32> to vector<2048xf32>
      %jit3A_194 = arith.constant 8 : i32
      %div3A_195 = arith.divsi %add3A_168, %jit3A_194 : i32
      %sign3A_196 = arith.constant 0 : i32
      %sign3A_197 = arith.cmpi sgt, %add3A_168, %sign3A_196 : i32
      %sign3A_198 = arith.extui %sign3A_197 : i1 to i32
      %sign3A_199 = arith.constant 0 : i32
      %sign3A_200 = arith.cmpi slt, %add3A_168, %sign3A_199 : i32
      %sign3A_201 = arith.extui %sign3A_200 : i1 to i32
      %sign3A_202 = arith.subi %sign3A_198, %sign3A_201 : i32
      %sign3A_203 = arith.constant 0 : i32
      %sign3A_204 = arith.cmpi sgt, %jit3A_194, %sign3A_203 : i32
      %sign3A_205 = arith.extui %sign3A_204 : i1 to i32
      %sign3A_206 = arith.constant 0 : i32
      %sign3A_207 = arith.cmpi slt, %jit3A_194, %sign3A_206 : i32
      %sign3A_208 = arith.extui %sign3A_207 : i1 to i32
      %sign3A_209 = arith.subi %sign3A_205, %sign3A_208 : i32
      %ne3A_210 = arith.cmpi ne, %sign3A_202, %sign3A_209 : i32
      %rem3A_211 = arith.remsi %add3A_168, %jit3A_194 : i32
      %ne3A_212 = arith.constant 0 : i32
      %ne3A_213 = arith.cmpi ne, %rem3A_211, %ne3A_212 : i32
      %and3A_214 = arith.andi %ne3A_210, %ne3A_213 : i1
      %sub3A_215 = arith.constant 1 : i32
      %sub3A_216 = arith.subi %div3A_195, %sub3A_215 : i32
      %select_n3A_217 = arith.select %and3A_214, %sub3A_216, %div3A_195 : i32
      %eq3A_218 = vector.broadcast %select_n3A_217 : i32 to vector<8x1xi32>
      %eq3A_219 = arith.cmpi eq, %iota3A, %eq3A_218 : vector<8x1xi32>
      %convert_element_type3A_220 = arith.extui %eq3A_219 : vector<8x1xi1> to vector<8x1xi32>
      %convert_element_type3A_221 = arith.sitofp %convert_element_type3A_220 : vector<8x1xi32> to vector<8x1xf32>
      %broadcast_in_dim3A_222 = vector.shape_cast %reduce_sum3A_193 : vector<2048xf32> to vector<1x2048xf32>
      %mul3A_223 = vector.broadcast %convert_element_type3A_221 : vector<8x1xf32> to vector<8x2048xf32>
      %mul3A_224 = vector.broadcast %broadcast_in_dim3A_222 : vector<1x2048xf32> to vector<8x2048xf32>
      %mul3A_225 = arith.mulf %mul3A_223, %mul3A_224 : vector<8x2048xf32>
      %add3A_226 = arith.addf %add3A_164, %mul3A_225 : vector<8x2048xf32>
      %mul3A_227 = arith.constant 4 : i32
      %mul3A_228 = arith.muli %scan3A_113, %mul3A_227 : i32
      %add3A_229 = arith.constant 2 : i32
      %add3A_230 = arith.addi %mul3A_228, %add3A_229 : i32
      %dma_wait3A_231 = arith.constant 2 : i32
      %dma_wait3A_232 = arith.constant 2 : i32
      %dma_wait3A_233 = tpu.memref_slice %arg11[%dma_wait3A_232] : memref<4x!tpu.dma_semaphore, #tpu.memory_space<semaphore_mem>> -> memref<1x!tpu.dma_semaphore, #tpu.memory_space<semaphore_mem>>
      %dma_wait3A_234 = tpu.memref_squeeze %dma_wait3A_233 : memref<1x!tpu.dma_semaphore, #tpu.memory_space<semaphore_mem>> -> memref<!tpu.dma_semaphore, #tpu.memory_space<semaphore_mem>>
      %dma_wait3A_235 = arith.constant 0 : i32
      %dma_wait3A_236 = arith.constant 0 : i32
      %dma_wait3A_237 = tpu.memref_slice %arg10[%dma_wait3A_231, %dma_wait3A_235, %dma_wait3A_236] : memref<4x1024x2048xf32, #tpu.memory_space<vmem>> -> memref<1x1024x2048xf32, #tpu.memory_space<vmem>>
      %dma_wait3A_238 = tpu.memref_squeeze %dma_wait3A_237 : memref<1x1024x2048xf32, #tpu.memory_space<vmem>> -> memref<1024x2048xf32, #tpu.memory_space<vmem>>
      %dma_wait3A_239 = arith.constant 0 : i32
      %dma_wait3A_240 = arith.constant 0 : i32
      %dma_wait3A_241 = tpu.memref_slice %arg0[%dma_wait3A_239, %dma_wait3A_240] : memref<32768x2048xf32, #tpu.memory_space<any>> -> memref<1024x2048xf32, #tpu.memory_space<any>>
      tpu.wait_dma2 semaphore(%dma_wait3A_234 : memref<!tpu.dma_semaphore, #tpu.memory_space<semaphore_mem>>) src(%dma_wait3A_241 : memref<1024x2048xf32, #tpu.memory_space<any>>) dst(%dma_wait3A_238 : memref<1024x2048xf32, #tpu.memory_space<vmem>>)
      %add3A_242 = arith.constant 4 : i32
      %add3A_243 = arith.addi %add3A_230, %add3A_242 : i32
      %lt3A_244 = arith.constant 32 : i32
      %lt3A_245 = arith.cmpi slt, %add3A_243, %lt3A_244 : i32
      %convert_element_type3A_246 = arith.extui %lt3A_245 : i1 to i32
      %cond3A_247 = arith.constant 0 : i32
      %cond3A_248 = arith.cmpi ne, %convert_element_type3A_246, %cond3A_247 : i32
      scf.if %cond3A_248 {
        %add3A_351 = arith.constant 4 : i32
        %add3A_352 = arith.addi %add3A_230, %add3A_351 : i32
        %mul3A_353 = arith.constant 1024 : i32
        %mul3A_354 = arith.muli %add3A_352, %mul3A_353 : i32
        %dma_start3A_355 = arith.constant 2 : i32
        %dma_start3A_356 = arith.constant 2 : i32
        %dma_start3A_357 = tpu.memref_slice %arg11[%dma_start3A_356] : memref<4x!tpu.dma_semaphore, #tpu.memory_space<semaphore_mem>> -> memref<1x!tpu.dma_semaphore, #tpu.memory_space<semaphore_mem>>
        %dma_start3A_358 = tpu.memref_squeeze %dma_start3A_357 : memref<1x!tpu.dma_semaphore, #tpu.memory_space<semaphore_mem>> -> memref<!tpu.dma_semaphore, #tpu.memory_space<semaphore_mem>>
        %dma_start3A_359 = arith.constant 0 : i32
        %dma_start3A_360 = arith.constant 0 : i32
        %dma_start3A_361 = tpu.memref_slice %arg10[%dma_start3A_355, %dma_start3A_359, %dma_start3A_360] : memref<4x1024x2048xf32, #tpu.memory_space<vmem>> -> memref<1x1024x2048xf32, #tpu.memory_space<vmem>>
        %dma_start3A_362 = tpu.memref_squeeze %dma_start3A_361 : memref<1x1024x2048xf32, #tpu.memory_space<vmem>> -> memref<1024x2048xf32, #tpu.memory_space<vmem>>
        %dma_start3A_363 = arith.constant 0 : i32
        %dma_start3A_364 = tpu.memref_slice %arg0[%mul3A_354, %dma_start3A_363] : memref<32768x2048xf32, #tpu.memory_space<any>> -> memref<1024x2048xf32, #tpu.memory_space<any>>
        tpu.enqueue_dma source(%dma_start3A_364 : memref<1024x2048xf32, #tpu.memory_space<any>>) target(%dma_start3A_362 : memref<1024x2048xf32, #tpu.memory_space<vmem>>) target_semaphore(%dma_start3A_358 : memref<!tpu.dma_semaphore, #tpu.memory_space<semaphore_mem>>)
      } else {
      }
      %get3A_249 = arith.constant 2 : index
      %get3A_250 = arith.constant 0 : index
      %get3A_251 = arith.constant 0 : index
      %get3A_252 = vector.load %arg10[%get3A_249, %get3A_250, %get3A_251] : memref<4x1024x2048xf32, #tpu.memory_space<vmem>>, vector<1x1024x2048xf32>
      %get3A_253 = vector.shape_cast %get3A_252 : vector<1x1024x2048xf32> to vector<1024x2048xf32>
      %reduce_sum3A_254 = arith.constant dense<0.000000e+00> : vector<2048xf32>
      %reduce_sum3A_255 = vector.multi_reduction <add>, %get3A_253, %reduce_sum3A_254 [0] : vector<1024x2048xf32> to vector<2048xf32>
      %jit3A_256 = arith.constant 8 : i32
      %div3A_257 = arith.divsi %add3A_230, %jit3A_256 : i32
      %sign3A_258 = arith.constant 0 : i32
      %sign3A_259 = arith.cmpi sgt, %add3A_230, %sign3A_258 : i32
      %sign3A_260 = arith.extui %sign3A_259 : i1 to i32
      %sign3A_261 = arith.constant 0 : i32
      %sign3A_262 = arith.cmpi slt, %add3A_230, %sign3A_261 : i32
      %sign3A_263 = arith.extui %sign3A_262 : i1 to i32
      %sign3A_264 = arith.subi %sign3A_260, %sign3A_263 : i32
      %sign3A_265 = arith.constant 0 : i32
      %sign3A_266 = arith.cmpi sgt, %jit3A_256, %sign3A_265 : i32
      %sign3A_267 = arith.extui %sign3A_266 : i1 to i32
      %sign3A_268 = arith.constant 0 : i32
      %sign3A_269 = arith.cmpi slt, %jit3A_256, %sign3A_268 : i32
      %sign3A_270 = arith.extui %sign3A_269 : i1 to i32
      %sign3A_271 = arith.subi %sign3A_267, %sign3A_270 : i32
      %ne3A_272 = arith.cmpi ne, %sign3A_264, %sign3A_271 : i32
      %rem3A_273 = arith.remsi %add3A_230, %jit3A_256 : i32
      %ne3A_274 = arith.constant 0 : i32
      %ne3A_275 = arith.cmpi ne, %rem3A_273, %ne3A_274 : i32
      %and3A_276 = arith.andi %ne3A_272, %ne3A_275 : i1
      %sub3A_277 = arith.constant 1 : i32
      %sub3A_278 = arith.subi %div3A_257, %sub3A_277 : i32
      %select_n3A_279 = arith.select %and3A_276, %sub3A_278, %div3A_257 : i32
      %eq3A_280 = vector.broadcast %select_n3A_279 : i32 to vector<8x1xi32>
      %eq3A_281 = arith.cmpi eq, %iota3A, %eq3A_280 : vector<8x1xi32>
      %convert_element_type3A_282 = arith.extui %eq3A_281 : vector<8x1xi1> to vector<8x1xi32>
      %convert_element_type3A_283 = arith.sitofp %convert_element_type3A_282 : vector<8x1xi32> to vector<8x1xf32>
      %broadcast_in_dim3A_284 = vector.shape_cast %reduce_sum3A_255 : vector<2048xf32> to vector<1x2048xf32>
      %mul3A_285 = vector.broadcast %convert_element_type3A_283 : vector<8x1xf32> to vector<8x2048xf32>
      %mul3A_286 = vector.broadcast %broadcast_in_dim3A_284 : vector<1x2048xf32> to vector<8x2048xf32>
      %mul3A_287 = arith.mulf %mul3A_285, %mul3A_286 : vector<8x2048xf32>
      %add3A_288 = arith.addf %add3A_226, %mul3A_287 : vector<8x2048xf32>
      %mul3A_289 = arith.constant 4 : i32
      %mul3A_290 = arith.muli %scan3A_113, %mul3A_289 : i32
      %add3A_291 = arith.constant 3 : i32
      %add3A_292 = arith.addi %mul3A_290, %add3A_291 : i32
      %dma_wait3A_293 = arith.constant 3 : i32
      %dma_wait3A_294 = arith.constant 3 : i32
      %dma_wait3A_295 = tpu.memref_slice %arg11[%dma_wait3A_294] : memref<4x!tpu.dma_semaphore, #tpu.memory_space<semaphore_mem>> -> memref<1x!tpu.dma_semaphore, #tpu.memory_space<semaphore_mem>>
      %dma_wait3A_296 = tpu.memref_squeeze %dma_wait3A_295 : memref<1x!tpu.dma_semaphore, #tpu.memory_space<semaphore_mem>> -> memref<!tpu.dma_semaphore, #tpu.memory_space<semaphore_mem>>
      %dma_wait3A_297 = arith.constant 0 : i32
      %dma_wait3A_298 = arith.constant 0 : i32
      %dma_wait3A_299 = tpu.memref_slice %arg10[%dma_wait3A_293, %dma_wait3A_297, %dma_wait3A_298] : memref<4x1024x2048xf32, #tpu.memory_space<vmem>> -> memref<1x1024x2048xf32, #tpu.memory_space<vmem>>
      %dma_wait3A_300 = tpu.memref_squeeze %dma_wait3A_299 : memref<1x1024x2048xf32, #tpu.memory_space<vmem>> -> memref<1024x2048xf32, #tpu.memory_space<vmem>>
      %dma_wait3A_301 = arith.constant 0 : i32
      %dma_wait3A_302 = arith.constant 0 : i32
      %dma_wait3A_303 = tpu.memref_slice %arg0[%dma_wait3A_301, %dma_wait3A_302] : memref<32768x2048xf32, #tpu.memory_space<any>> -> memref<1024x2048xf32, #tpu.memory_space<any>>
      tpu.wait_dma2 semaphore(%dma_wait3A_296 : memref<!tpu.dma_semaphore, #tpu.memory_space<semaphore_mem>>) src(%dma_wait3A_303 : memref<1024x2048xf32, #tpu.memory_space<any>>) dst(%dma_wait3A_300 : memref<1024x2048xf32, #tpu.memory_space<vmem>>)
      %add3A_304 = arith.constant 4 : i32
      %add3A_305 = arith.addi %add3A_292, %add3A_304 : i32
      %lt3A_306 = arith.constant 32 : i32
      %lt3A_307 = arith.cmpi slt, %add3A_305, %lt3A_306 : i32
      %convert_element_type3A_308 = arith.extui %lt3A_307 : i1 to i32
      %cond3A_309 = arith.constant 0 : i32
      %cond3A_310 = arith.cmpi ne, %convert_element_type3A_308, %cond3A_309 : i32
      scf.if %cond3A_310 {
        %add3A_351 = arith.constant 4 : i32
        %add3A_352 = arith.addi %add3A_292, %add3A_351 : i32
        %mul3A_353 = arith.constant 1024 : i32
        %mul3A_354 = arith.muli %add3A_352, %mul3A_353 : i32
        %dma_start3A_355 = arith.constant 3 : i32
        %dma_start3A_356 = arith.constant 3 : i32
        %dma_start3A_357 = tpu.memref_slice %arg11[%dma_start3A_356] : memref<4x!tpu.dma_semaphore, #tpu.memory_space<semaphore_mem>> -> memref<1x!tpu.dma_semaphore, #tpu.memory_space<semaphore_mem>>
        %dma_start3A_358 = tpu.memref_squeeze %dma_start3A_357 : memref<1x!tpu.dma_semaphore, #tpu.memory_space<semaphore_mem>> -> memref<!tpu.dma_semaphore, #tpu.memory_space<semaphore_mem>>
        %dma_start3A_359 = arith.constant 0 : i32
        %dma_start3A_360 = arith.constant 0 : i32
        %dma_start3A_361 = tpu.memref_slice %arg10[%dma_start3A_355, %dma_start3A_359, %dma_start3A_360] : memref<4x1024x2048xf32, #tpu.memory_space<vmem>> -> memref<1x1024x2048xf32, #tpu.memory_space<vmem>>
        %dma_start3A_362 = tpu.memref_squeeze %dma_start3A_361 : memref<1x1024x2048xf32, #tpu.memory_space<vmem>> -> memref<1024x2048xf32, #tpu.memory_space<vmem>>
        %dma_start3A_363 = arith.constant 0 : i32
        %dma_start3A_364 = tpu.memref_slice %arg0[%mul3A_354, %dma_start3A_363] : memref<32768x2048xf32, #tpu.memory_space<any>> -> memref<1024x2048xf32, #tpu.memory_space<any>>
        tpu.enqueue_dma source(%dma_start3A_364 : memref<1024x2048xf32, #tpu.memory_space<any>>) target(%dma_start3A_362 : memref<1024x2048xf32, #tpu.memory_space<vmem>>) target_semaphore(%dma_start3A_358 : memref<!tpu.dma_semaphore, #tpu.memory_space<semaphore_mem>>)
      } else {
      }
      %get3A_311 = arith.constant 3 : index
      %get3A_312 = arith.constant 0 : index
      %get3A_313 = arith.constant 0 : index
      %get3A_314 = vector.load %arg10[%get3A_311, %get3A_312, %get3A_313] : memref<4x1024x2048xf32, #tpu.memory_space<vmem>>, vector<1x1024x2048xf32>
      %get3A_315 = vector.shape_cast %get3A_314 : vector<1x1024x2048xf32> to vector<1024x2048xf32>
      %reduce_sum3A_316 = arith.constant dense<0.000000e+00> : vector<2048xf32>
      %reduce_sum3A_317 = vector.multi_reduction <add>, %get3A_315, %reduce_sum3A_316 [0] : vector<1024x2048xf32> to vector<2048xf32>
      %jit3A_318 = arith.constant 8 : i32
      %div3A_319 = arith.divsi %add3A_292, %jit3A_318 : i32
      %sign3A_320 = arith.constant 0 : i32
      %sign3A_321 = arith.cmpi sgt, %add3A_292, %sign3A_320 : i32
      %sign3A_322 = arith.extui %sign3A_321 : i1 to i32
      %sign3A_323 = arith.constant 0 : i32
      %sign3A_324 = arith.cmpi slt, %add3A_292, %sign3A_323 : i32
      %sign3A_325 = arith.extui %sign3A_324 : i1 to i32
      %sign3A_326 = arith.subi %sign3A_322, %sign3A_325 : i32
      %sign3A_327 = arith.constant 0 : i32
      %sign3A_328 = arith.cmpi sgt, %jit3A_318, %sign3A_327 : i32
      %sign3A_329 = arith.extui %sign3A_328 : i1 to i32
      %sign3A_330 = arith.constant 0 : i32
      %sign3A_331 = arith.cmpi slt, %jit3A_318, %sign3A_330 : i32
      %sign3A_332 = arith.extui %sign3A_331 : i1 to i32
      %sign3A_333 = arith.subi %sign3A_329, %sign3A_332 : i32
      %ne3A_334 = arith.cmpi ne, %sign3A_326, %sign3A_333 : i32
      %rem3A_335 = arith.remsi %add3A_292, %jit3A_318 : i32
      %ne3A_336 = arith.constant 0 : i32
      %ne3A_337 = arith.cmpi ne, %rem3A_335, %ne3A_336 : i32
      %and3A_338 = arith.andi %ne3A_334, %ne3A_337 : i1
      %sub3A_339 = arith.constant 1 : i32
      %sub3A_340 = arith.subi %div3A_319, %sub3A_339 : i32
      %select_n3A_341 = arith.select %and3A_338, %sub3A_340, %div3A_319 : i32
      %eq3A_342 = vector.broadcast %select_n3A_341 : i32 to vector<8x1xi32>
      %eq3A_343 = arith.cmpi eq, %iota3A, %eq3A_342 : vector<8x1xi32>
      %convert_element_type3A_344 = arith.extui %eq3A_343 : vector<8x1xi1> to vector<8x1xi32>
      %convert_element_type3A_345 = arith.sitofp %convert_element_type3A_344 : vector<8x1xi32> to vector<8x1xf32>
      %broadcast_in_dim3A_346 = vector.shape_cast %reduce_sum3A_317 : vector<2048xf32> to vector<1x2048xf32>
      %mul3A_347 = vector.broadcast %convert_element_type3A_345 : vector<8x1xf32> to vector<8x2048xf32>
      %mul3A_348 = vector.broadcast %broadcast_in_dim3A_346 : vector<1x2048xf32> to vector<8x2048xf32>
      %mul3A_349 = arith.mulf %mul3A_347, %mul3A_348 : vector<8x2048xf32>
      %add3A_350 = arith.addf %add3A_288, %mul3A_349 : vector<8x2048xf32>
      scf.yield %add3A_350 : vector<8x2048xf32>
    }
    %scan3A_48 = arith.constant 8 : i32
    %slice3A = vector.extract_strided_slice %scan3A_47 {offsets = [0, 0], sizes = [4, 2048], strides = [1, 1]} : vector<8x2048xf32> to vector<4x2048xf32>
    %mul3A = arith.constant 1.22070313E-4 : f32
    %mul3A_49 = vector.broadcast %mul3A : f32 to vector<4x2048xf32>
    %mul3A_50 = arith.mulf %slice3A, %mul3A_49 : vector<4x2048xf32>
    %get3A = arith.constant 0 : index
    %get3A_51 = arith.constant 0 : index
    %get3A_52 = vector.load %arg2[%get3A, %get3A_51] : memref<256x2048xf32, #tpu.memory_space<vmem>>, vector<256x2048xf32>
    %dot_general3A = arith.constant dense<0.000000e+00> : vector<4x256xf32>
    %dot_general3A_53 = tpu.matmul %mul3A_50, %get3A_52, %dot_general3A {dimension_numbers = #tpu.dot_dimension_numbers<[1], [1], [0], [0], [0, 0, 1, 0], [], []>, transpose_lhs_hint = false} : vector<4x2048xf32>, vector<256x2048xf32>, vector<4x256xf32> -> vector<4x256xf32>
    %get3A_54 = arith.constant 0 : index
    %get3A_55 = vector.load %arg3[%get3A_54] : memref<256xf32, #tpu.memory_space<vmem>>, vector<256xf32>
    %broadcast_in_dim3A_56 = vector.shape_cast %get3A_55 : vector<256xf32> to vector<1x256xf32>
    %add3A = vector.broadcast %broadcast_in_dim3A_56 : vector<1x256xf32> to vector<4x256xf32>
    %add3A_57 = arith.addf %dot_general3A_53, %add3A : vector<4x256xf32>
    %max3A = arith.constant 0.000000e+00 : f32
    %max3A_58 = vector.broadcast %max3A : f32 to vector<4x256xf32>
    %max3A_59 = arith.maximumf %add3A_57, %max3A_58 : vector<4x256xf32>
    %get3A_60 = arith.constant 0 : index
    %get3A_61 = arith.constant 0 : index
    %get3A_62 = vector.load %arg4[%get3A_60, %get3A_61] : memref<128x256xf32, #tpu.memory_space<vmem>>, vector<128x256xf32>
    %dot_general3A_63 = arith.constant dense<0.000000e+00> : vector<4x128xf32>
    %dot_general3A_64 = tpu.matmul %max3A_59, %get3A_62, %dot_general3A_63 {dimension_numbers = #tpu.dot_dimension_numbers<[1], [1], [0], [0], [0, 0, 1, 0], [], []>, transpose_lhs_hint = false} : vector<4x256xf32>, vector<128x256xf32>, vector<4x128xf32> -> vector<4x128xf32>
    %get3A_65 = arith.constant 0 : index
    %get3A_66 = vector.load %arg5[%get3A_65] : memref<128xf32, #tpu.memory_space<vmem>>, vector<128xf32>
    %broadcast_in_dim3A_67 = vector.shape_cast %get3A_66 : vector<128xf32> to vector<1x128xf32>
    %add3A_68 = vector.broadcast %broadcast_in_dim3A_67 : vector<1x128xf32> to vector<4x128xf32>
    %add3A_69 = arith.addf %dot_general3A_64, %add3A_68 : vector<4x128xf32>
    %max3A_70 = arith.constant 0.000000e+00 : f32
    %max3A_71 = vector.broadcast %max3A_70 : f32 to vector<4x128xf32>
    %max3A_72 = arith.maximumf %add3A_69, %max3A_71 : vector<4x128xf32>
    %get3A_73 = arith.constant 0 : index
    %get3A_74 = arith.constant 0 : index
    %get3A_75 = vector.load %arg6[%get3A_73, %get3A_74] : memref<1x128xf32, #tpu.memory_space<vmem>>, vector<1x128xf32>
    %broadcast_in_dim3A_76 = vector.shape_cast %get3A_75 : vector<1x128xf32> to vector<1x128xf32>
    %broadcast_in_dim3A_77 = vector.broadcast %broadcast_in_dim3A_76 : vector<1x128xf32> to vector<16x128xf32>
    %dot_general3A_78 = arith.constant dense<0.000000e+00> : vector<4x16xf32>
    %dot_general3A_79 = tpu.matmul %max3A_72, %broadcast_in_dim3A_77, %dot_general3A_78 {dimension_numbers = #tpu.dot_dimension_numbers<[1], [1], [0], [0], [0, 0, 1, 0], [], []>, transpose_lhs_hint = false} : vector<4x128xf32>, vector<16x128xf32>, vector<4x16xf32> -> vector<4x16xf32>
    %get3A_80 = arith.constant 0 : index
    %get3A_81 = memref.load %arg7[%get3A_80] : memref<1xf32, #tpu.memory_space<smem>>
    %add3A_82 = vector.broadcast %get3A_81 : f32 to vector<4x16xf32>
    %add3A_83 = arith.addf %dot_general3A_79, %add3A_82 : vector<4x16xf32>
    %logistic3A = arith.negf %add3A_83 : vector<4x16xf32>
    %logistic3A_84 = math.exp %logistic3A : vector<4x16xf32>
    %logistic3A_85 = arith.constant 1.000000e+00 : f32
    %logistic3A_86 = vector.broadcast %logistic3A_85 : f32 to vector<4x16xf32>
    %logistic3A_87 = arith.addf %logistic3A_86, %logistic3A_84 : vector<4x16xf32>
    %logistic3A_88 = arith.divf %logistic3A_86, %logistic3A_87 : vector<4x16xf32>
    %mul3A_89 = arith.constant 6.000000e+01 : f32
    %mul3A_90 = vector.broadcast %mul3A_89 : f32 to vector<4x16xf32>
    %mul3A_91 = arith.mulf %logistic3A_88, %mul3A_90 : vector<4x16xf32>
    %add3A_92 = arith.constant 4.000000e+00 : f32
    %add3A_93 = vector.broadcast %add3A_92 : f32 to vector<4x16xf32>
    %add3A_94 = arith.addf %add3A_93, %mul3A_91 : vector<4x16xf32>
    %round3A = math.roundeven %add3A_94 : vector<4x16xf32>
    %jit3A = arith.constant 4 : i32
    %jit3A_95 = arith.constant 64 : i32
    %convert_element_type3A = arith.sitofp %jit3A : i32 to f32
    %max3A_96 = vector.broadcast %convert_element_type3A : f32 to vector<4x16xf32>
    %max3A_97 = arith.maximumf %max3A_96, %round3A : vector<4x16xf32>
    %convert_element_type3A_98 = arith.sitofp %jit3A_95 : i32 to f32
    %min3A = vector.broadcast %convert_element_type3A_98 : f32 to vector<4x16xf32>
    %min3A_99 = arith.minimumf %min3A, %max3A_97 : vector<4x16xf32>
    %convert_element_type3A_100 = arith.fptosi %min3A_99 : vector<4x16xf32> to vector<4x16xi32>
    %swap3A = arith.constant 0 : index
    %swap3A_101 = arith.constant 0 : index
    %swap3A_102 = vector.load %arg9[%swap3A, %swap3A_101] : memref<4x16xi32, #tpu.memory_space<vmem>>, vector<4x16xi32>
    tpu.vector_store %arg9[%swap3A, %swap3A_101], %convert_element_type3A_100 {strides = array<i32>} : memref<4x16xi32, #tpu.memory_space<vmem>>, vector<4x16xi32>,
    %get3A_103 = arith.constant 0 : index
    %get3A_104 = arith.constant 0 : index
    %get3A_105 = vector.load %arg1[%get3A_103, %get3A_104] : memref<64x256xf32, #tpu.memory_space<vmem>>, vector<64x256xf32>
    %broadcast_in_dim3A_106 = vector.shape_cast %get3A_105 : vector<64x256xf32> to vector<1x64x256xf32>
    %broadcast_in_dim3A_107 = vector.shape_cast %broadcast_in_dim3A_106 : vector<1x64x256xf32> to vector<1x64x256xf32>
    %broadcast_in_dim3A_108 = vector.broadcast %broadcast_in_dim3A_107 : vector<1x64x256xf32> to vector<4x64x256xf32>
    %swap3A_109 = arith.constant 0 : index
    %swap3A_110 = arith.constant 0 : index
    %swap3A_111 = arith.constant 0 : index
    %swap3A_112 = vector.load %arg8[%swap3A_109, %swap3A_110, %swap3A_111] : memref<4x64x256xf32, #tpu.memory_space<vmem>>, vector<4x64x256xf32>
    tpu.vector_store %arg8[%swap3A_109, %swap3A_110, %swap3A_111], %broadcast_in_dim3A_108 {strides = array<i32>} : memref<4x64x256xf32, #tpu.memory_space<vmem>>, vector<4x64x256xf32>,
    return
  }
}

</mosaic_0001>

<sc_bundles>
// kernel: kernel.6.cloned.1.call-start
scs
__scs_entry_jumppad:
0x0: {  	(pc) =	sbr.rel $0x88, $3  }
0x1: {  	(tag) =	ssettag $0x0;
	lr =	simm.s32 $0x1  }
0x2: {  	[smem:$0x3F94] =	sst lr;
	_ =	strace $0xD0000000  }
0x3: {  	_ = 	snop  }
0x4: {  	_ = 	snop  }
0x5: {  	_ = 	snop  }
0x6: {  	_ = 	snop  }
0x7: {  	_ = 	snop  }
__scs_overlays_trampoline_lowered:
0x8: {  	[smem:$0x3FA3] =	sst s0  }
0x9: {  	[smem:$0x3FA4] =	sst s1  }
0xa: {  	[smem:$0x3FA5] =	sst s2  }
0xb: {  	[smem:$0x3FA6] =	sst s3  }
0xc: {  	[smem:$0x3FA7] =	sst s4  }
0xd: {  	[smem:$0x3FA8] =	sst s5  }
0xe: {  	[smem:$0x3FA9] =	sst s6  }
0xf: {  	[smem:$0x3FAA] =	sst s7  }
0x10: {  	[smem:$0x3FAB] =	sst s8  }
0x11: {  	[smem:$0x3FAC] =	sst s9;
	s0 =	simm.s32 @!p0 $0x0  }
0x12: {  	s1 =	sld [smem:$0x3F92];
	s0 =	simm.s32 @p0 $0x1  }
0x13: {  	[smem:$0x3FAD] =	sst s0;
	s0 =	simm.s32 @!p1 $0x0  }
0x14: {  	s2 =	sld [smem:$0x3F91];
	s0 =	simm.s32 @p1 $0x1  }
0x15: {  	[smem:$0x3FAE] =	sst s0;
	s0 =	simm.s32 @!p2 $0x0  }
0x16: {  	s3 =	sld [smem:$0x3FDB];
	s0 =	simm.s32 @p2 $0x1  }
0x17: {  	s4 =	simm.s32 $0x1BF5;
	[smem:$0x3FB0] =	sst s0  }
0x18: {  	s0 =	sld [smem:$0x3F93];
	_ =	swait.ge [sflag:s4], $0x0  }
0x19: {  	s7 =	sld [smem:$0x3F94]  }
0x1a: {  	s8 =	sadd.s32 $0xFFFFE003, lr  }
0x1b: {  	s9 =	sadd.s32 $0xFFFFFEF7, lr;
	s5 =	simm.s32 $0xFFFFFFFF;
	p2 =	slt.u32 s8, $0xFFFFF086  }
0x1c: {  	p1 =	slt.u32 s9, $0xF7A;
	s5 =	simm.s32 @!p2 $0x0  }
0x1d: {  	s5 =	simm.s32 @p1 $0x1;
	p0 =	seq.s32 s7, s2  }
0x1e: {  	s7 =	smul.u32 @!p0 $0xF7A, s2;
	p2 =	seq.s32 @!p0 s5, $0x0  }
0x1f: {  	s9 =	smul.u32 $0xF7A, s1;
	s8 =	simm.s32 @!p0 $0x1BF5;
	p2 =	por !p2, p0  }
0x20: {  	[sflag:s8] =	ssyncset.s32 @!p0 $0xFFFFF086;
	s6 =	sadd.s32 @!p0 s3, s7;
	s7 =	simm.s32 @!p0 $0x108  }
0x21: {  	s3 =	sadd.s32 s3, s9;
	s6 =	sadd.s32 @!p0 $0x88, s6;
	s7 =	simm.s32 @p2 $0x1082  }
0x22: {  	[simem:s7], [sflag:s8] =	dma.local @!p0 [hbm:s6], $0xF7A  }
0x23: {  	s9 =	sor.u32 $0xD0000000, s2;
	s6 =	simm.s32 $0x108;
	_ =	swait.ge @!p0 [sflag:s8], $0x0  }
0x24: {  	s3 =	sadd.s32 $0x88, s3;
	s6 =	simm.s32 @!p1 $0x1082;
	[sflag:s4] =	ssyncset.s32 $0xFFFFF086  }
0x25: {  	[simem:s6], [sflag:s4] =	dma.local [hbm:s3], $0xF7A  }
0x26: {  	[smem:$0x3F94] =	sst s1;
	(tag) =	ssettag s2;
	_ =	strace s9  }
0x27: {  	s1 =	sld [smem:$0x3FA4]  }
0x28: {  	s2 =	sld [smem:$0x3FA5]  }
0x29: {  	s4 =	sld [smem:$0x3FA7]  }
0x2a: {  	p0 =	seq.s32 s5, $0x0;
	s5 =	sld [smem:$0x3FA8]  }
0x2b: {  	s6 =	sld [smem:$0x3FA9]  }
0x2c: {  	s7 =	sld [smem:$0x3FAA]  }
0x2d: {  	s3 =	simm.s32 $0x108;
	s8 =	sld [smem:$0x3FAB]  }
0x2e: {  	s3 =	simm.s32 @!p0 $0x1082;
	s9 =	sld [smem:$0x3FAC]  }
0x2f: {  	lr =	sadd.s32 s0, s3;
	s0 =	sld [smem:$0x3FA3]  }
0x30: {  	s3 =	sld [smem:$0x3FA6]  }
0x31: {  	[smem:$0x3FAF] =	sst s10  }
0x32: {  	s10 =	sld [smem:$0x3FAD];
	_ =	sdelay $0x3  }
0x33: {  	p0 =	seq.s32 s10, $0x1;
	s10 =	sld [smem:$0x3FAF];
	_ =	sdelay $0x3  }
0x34: {  	[smem:$0x3FAF] =	sst s10  }
0x35: {  	s10 =	sld [smem:$0x3FAE];
	_ =	sdelay $0x3  }
0x36: {  	p1 =	seq.s32 s10, $0x1;
	s10 =	sld [smem:$0x3FAF];
	_ =	sdelay $0x3  }
0x37: {  	[smem:$0x3FAF] =	sst s10  }
0x38: {  	s10 =	sld [smem:$0x3FB0]  }
0x39: {  	_ = 	snop;
	(pc) =	sbr.ind lr, $3  }
0x3a: {  	_ = 	snop  }
0x3b: {  	_ = 	snop  }
0x3c: {  	p2 =	seq.s32 s10, $0x1;
	s10 =	sld [smem:$0x3FAF]  }
0x3d: {  	_ =	shalt  }
0x3e: {  	_ =	shalt  }
0x3f: {  	_ =	shalt  }
0x40: {  	_ =	shalt  }
0x41: {  	_ =	shalt  }
0x42: {  	_ =	shalt  }
0x43: {  	_ =	shalt  }
0x44: {  	_ =	shalt  }
0x45: {  	_ =	shalt  }
0x46: {  	_ =	shalt  }
0x47: {  	_ =	shalt  }
0x48: {  	_ =	shalt  }
0x49: {  	_ =	shalt  }
0x4a: {  	_ =	shalt  }
0x4b: {  	_ =	shalt  }
0x4c: {  	_ =	shalt  }
0x4d: {  	_ =	shalt  }
0x4e: {  	_ =	shalt  }
0x4f: {  	_ =	shalt  }
0x50: {  	_ =	shalt  }
0x51: {  	_ =	shalt  }
0x52: {  	_ =	shalt  }
0x53: {  	_ =	shalt  }
0x54: {  	_ =	shalt  }
0x55: {  	_ =	shalt  }
0x56: {  	_ =	shalt  }
0x57: {  	_ =	shalt  }
0x58: {  	_ =	shalt  }
0x59: {  	_ =	shalt  }
0x5a: {  	_ =	shalt  }
0x5b: {  	_ =	shalt  }
0x5c: {  	_ =	shalt  }
0x5d: {  	_ =	shalt  }
0x5e: {  	_ =	shalt  }
0x5f: {  	_ =	shalt  }
0x60: {  	_ =	shalt  }
0x61: {  	_ =	shalt  }
0x62: {  	_ =	shalt  }
0x63: {  	_ =	shalt  }
0x64: {  	_ =	shalt  }
0x65: {  	_ =	shalt  }
0x66: {  	_ =	shalt  }
0x67: {  	_ =	shalt  }
0x68: {  	_ =	shalt  }
0x69: {  	_ =	shalt  }
0x6a: {  	_ =	shalt  }
0x6b: {  	_ =	shalt  }
0x6c: {  	_ =	shalt  }
0x6d: {  	_ =	shalt  }
0x6e: {  	_ =	shalt  }
0x6f: {  	_ =	shalt  }
0x70: {  	_ =	shalt  }
0x71: {  	_ =	shalt  }
0x72: {  	_ =	shalt  }
0x73: {  	_ =	shalt  }
0x74: {  	_ =	shalt  }
0x75: {  	_ =	shalt  }
0x76: {  	_ =	shalt  }
0x77: {  	_ =	shalt  }
0x78: {  	_ =	shalt  }
0x79: {  	_ =	shalt  }
0x7a: {  	_ =	shalt  }
0x7b: {  	_ =	shalt  }
0x7c: {  	_ =	shalt  }
0x7d: {  	_ =	shalt  }
0x7e: {  	_ =	shalt  }
0x7f: {  	_ =	shalt  }
0x80: {  	_ =	shalt  }
0x81: {  	_ =	shalt  }
0x82: {  	_ =	shalt  }
0x83: {  	_ =	shalt  }
0x84: {  	_ =	shalt  }
0x85: {  	_ =	shalt  }
0x86: {  	_ =	shalt  }
0x87: {  	_ =	shalt  }
.Lfunc_end0:
.L_simem_size_0:
called_computation_lowered:
.L_overlay_start_0:
0x88: {  	s0 =	sld [smem:$0x3FD9]  }
0x89: {  	s1 =	sld [smem:$0x3FFE];
	_ =	sdelay $0x3  }
0x8a: {  	s0 =	sadd.s32 s1, s0  }
0x8b: {  	[smem:$0x3FBB] =	sst s0  }
0x8c: {  	_ = 	snop  }
0x8d: {  	s0 =	sld [smem:$0x3FD0];
	_ =	sdelay $0x2  }
0x8e: {  	s13 =	simm.s32 $0xA;
	s2 =	simm.s32 $0x10  }
0x8f: {  	[smem:s2], [sflag:s13] =	dma.local [hbm:s0], $0x1  }
0x90: {  	_ =	swait.eq [sflag:s13], $0x1  }
0x91: {  	[sflag:s13] =	ssyncset.done $0x0  }
0x92: {  	[sflag:s13] =	ssyncadd.s32 $0xFFFFFFFF  }
0x93: {  	s14 =	sld [smem:$0x11];
	(tm) =	ssettm $0x1  }
0x94: {  	s15 =	sld [smem:$0x3FFB];
	_ =	sdelay $0x3  }
0x95: {  	_ =	strace s15  }
0x96: {  	s1 =	sld [smem:$0x3FFC];
	_ =	sdelay $0x3  }
0x97: {  	_ =	strace s1  }
0x98: {  	s1 =	sld [smem:$0x3FFD];
	_ =	sdelay $0x3  }
0x99: {  	_ =	strace s1  }
0x9a: {  	_ =	strace $0x8FFFFFFF  }
0x9b: {  	s16 =	sld [smem:$0x3FDB];
	_ =	sdelay $0x1  }
0x9c: {  	s17 =	simm.s32 $_scs_section_size  }
0x9d: {  	s3 =	simm.s32 $_size__tile_overlayer_lowered;
	s4 =	simm.s32 $_tile_overlayer_lowered  }
0x9e: {  	s20 =	simm.s32 $0x1BFF;
	s19 =	sshll.u32 s4, $0x1;
	s1 =	sadd.s32 s17, s16  }
0x9f: {  	s5 =	simm.s32 $0x0;
	s18 =	sshll.u32 s3, $0x1;
	s3 =	sadd.s32 s19, s1  }
0xa0: {  	[timem:s5], [sflag:s20] =	dma.local [hbm:s3], s18  }
0xa1: {  	_ =	swait.ge [sflag:s20], s18  }
0xa2: {  	s2 =	ssub.s32 $0x0, s18;
	[sflag:s20] =	ssyncset.done $0x0  }
0xa3: {  	[sflag:s20] =	ssyncadd.s32 s2;
	_ =	sdelay $0x1  }
0xa4: {  	s21 =	simm.s32 $0x1B8B  }
0xa5: {  	_ =	swait.ge [sflag:s21], $0x1  }
0xa6: {  	[sflag:s21] =	ssyncset.done $0x0  }
0xa7: {  	s23 =	simm.s32 $0x1B8E;
	s22 =	sld [smem:$0x3FFE];
	[sflag:s21] =	ssyncadd.s32 $0xFFFFFFFF  }
0xa8: {  	s24 =	simm.s32 $execute0_lowered;
	[smem:$0x3FD2] =	sst s23  }
0xa9: {  	s3 =	sshll.u32 s24, $0x1;
	_ =	strace $0x80000046;
	[dreg:$0x1] =	wrdreg $0xFFFFFFFF  }
0xaa: {  	s25 =	simm.s32 $_size_execute0_lowered;
	s1 =	sadd.s32 s1, s3;
	[dreg:$0x0] =	wrdreg $0x0  }
0xab: {  	s3 =	sshll.u32 s25, $0x1;
	[dreg:$0x2] =	wrdreg s1  }
0xac: {  	[dreg:$0x3] =	wrdreg s3  }
0xad: {  	[dreg:$0x4] =	wrdreg $0xC0  }
0xae: {  	_ =	task [dreg:s5], $0x5FFFF  }
0xaf: {  	[dreg:$0x1] =	wrdreg $0xFFFFFFFF  }
0xb0: {  	[dreg:$0x0] =	wrdreg $0x60  }
0xb1: {  	[dreg:$0x2] =	wrdreg s22  }
0xb2: {  	[dreg:$0x3] =	wrdreg s14  }
0xb3: {  	[dreg:$0x4] =	wrdreg $0x9  }
0xb4: {  	_ =	task.clear_ibuf [dreg:s5], $0x5FFFF;
	_ =	strace $0x90000046  }
0xb5: {  	s26 =	simm.s32 $0x9;
	_ =	strace $0x80000048  }
0xb6: {  	_ =	swait.ge [sflag:s26], $0x1  }
0xb7: {  	[sflag:s26] =	ssyncadd.s32 $0xFFFFFFFF  }
0xb8: {  	_ =	strace $0x90000048  }
0xb9: {  	_ =	sfence  }
0xba: {  	s28 =	sld [smem:$0x0];
	_ =	sdelay $0x1  }
0xbb: {  	s29 =	srdreg.scid  }
0xbc: {  	s30 =	sshll.u32 s29, $0xD;
	s31 =	sshrl.u32 s29, $0x2  }
0xbd: {  	s2 =	sand.u32 $0x4000, s30;
	s1 =	sand.u32 $0x1, s29;
	s0 =	sadd.s32 s31, s28  }
0xbe: {  	s1 =	sor.u32 s2, s1;
	s0 =	sshll.u32 s0, $0x11  }
0xbf: {  	s0 =	sor.u32 s0, s1  }
0xc0: {  	s0 =	sadd.s32 $0x8F2B, s0  }
0xc1: {  	[sflag:s0] =	ssyncadd.remote.s32 $0x1  }
0xc2: {  	_ =	sfence.sel $0xFFFF  }
0xc3: {  	[dreg:$0x0] =	wrdreg $0xFFFFFFFF;
	(pc) =	sbr.abs _section_cstart, $3  }
0xc4: {  	[dreg:$0x1] =	wrdreg $0xFFFFFFFF  }
0xc5: {  	_ =	task.clear_ibuf [dreg:s5], $0x2FFFF;
	_ =	strace $0x9FFFFFFF  }
0xc6: {  	(tm) =	ssettm $0x7FFFFFFF  }
0xc7: {  	_ =	shalt  }
tec
execute0_lowered:
.L_overlay_start_1:
0x0: {  	(tag) =	ssettag $0x1  }
0x1: {  	s2 =	rddreg [dreg:$0x0]  }
0x2: {  	s1 =	rddreg [dreg:$0x1];
	s3 =	stileid.u32  }
0x3: {  	s0 =	rddreg [dreg:$0x2];
	_ =	strace $0x80000047;
	p0 =	sne.s32 s3, $0x0  }
0x4: {  	_ =	sfence.sel @p0 $0x180000  }
0x5: {  	[bflag:$0x0] =	sbarrier.arrive @p0 $0xFFFF  }
0x6: {  	_ =	strace @p0 $0x90000047  }
0x7: {  	[bflag:$0x2] =	sbarrier.arrive @p0 $0xFFFF  }
0x8: {  	_ =	shalt @p0  }
.LBB2_1:
0x9: {  	s2 =	sadd.s32 $0x1400, s2;
	s3 =	simm.s32 $0x0;
	s31 =	simm.s32 $0x1  }
0xa: {  	[tilespmem:s3], [sflag:$0x1] =	stream.linear.gather [hbm4b:s2+s3], $0x2000, $0x38;
	[tilespmem:$0x2080] =	vst v63  }
0xb: {  	_ =	swait.ge [sflag:s31], $0x2000  }
0xc: {  	[sflag:s31] =	ssyncset.done $0x0  }
0xd: {  	[sflag:s31] =	ssyncadd.s32 $0xFFFFE000  }
0xe: {  	s2 =	simm.s32 $0x80;
	v0 =	vld [tilespmem:$0x0]  }
0xf: {  	v3 =	vld [tilespmem:s2+$0x0];
	_ =	sdelay $0x1  }
0x10: {  	v1 =	vlaneseq.u32;
	v2 =	vmov s31  }
0x11: {  	s3 =	simm.s32 $0x2;
	vm0 =	veq.s32 v2, v1  }
.LBB2_2:
0x12: {  	p0 =	sne.s32 s3, $0xF  }
0x13: {  	v0 =	vsel vm0, v3, v0;
	s2 =	sadd.s32 $0x80, s2;
	s4 =	smov.u32 s3;
	s3 =	sadd.s32 $0x1, s3  }
.Ltmp0:
0x14: {  	v3 =	vld [tilespmem:s2+$0x0];
	(pc) =	sbr.rel @p0 .LBB2_2-.Ltmp0, $3  }
0x15: {  	_ =	sdelay $0x1  }
0x16: {  	v2 =	vmov s4  }
0x17: {  	vm0 =	veq.s32 v2, v1  }
0x18: {  	s2 =	simm.s32 $0x880;
	v1 =	vld [tilespmem:$0x800]  }
0x19: {  	v4 =	vld [tilespmem:s2+$0x0]  }
0x1a: {  	s3 =	simm.s32 $0x1  }
0x1b: {  	v2 =	vlaneseq.u32;
	v5 =	vmov s3  }
0x1c: {  	v0 =	vsel vm0, v3, v0;
	s3 =	simm.s32 $0x2;
	vm0 =	veq.s32 v5, v2  }
.LBB2_4:
0x1d: {  	p0 =	sne.s32 s3, $0xF  }
0x1e: {  	v1 =	vsel vm0, v4, v1;
	s2 =	sadd.s32 $0x80, s2;
	s4 =	smov.u32 s3;
	s3 =	sadd.s32 $0x1, s3  }
.Ltmp1:
0x1f: {  	v4 =	vld [tilespmem:s2+$0x0];
	(pc) =	sbr.rel @p0 .LBB2_4-.Ltmp1, $3  }
0x20: {  	_ =	sdelay $0x1  }
0x21: {  	v3 =	vmov s4  }
0x22: {  	vm0 =	veq.s32 v3, v2  }
0x23: {  	s2 =	simm.s32 $0x1080;
	v2 =	vld [tilespmem:$0x1000]  }
0x24: {  	v5 =	vld [tilespmem:s2+$0x0]  }
0x25: {  	s3 =	simm.s32 $0x1  }
0x26: {  	v3 =	vlaneseq.u32;
	v6 =	vmov s3  }
0x27: {  	v1 =	vsel vm0, v4, v1;
	s3 =	simm.s32 $0x2;
	vm0 =	veq.s32 v6, v3  }
.LBB2_6:
0x28: {  	p0 =	sne.s32 s3, $0xF  }
0x29: {  	v2 =	vsel vm0, v5, v2;
	s2 =	sadd.s32 $0x80, s2;
	s4 =	smov.u32 s3;
	s3 =	sadd.s32 $0x1, s3  }
.Ltmp2:
0x2a: {  	v5 =	vld [tilespmem:s2+$0x0];
	(pc) =	sbr.rel @p0 .LBB2_6-.Ltmp2, $3  }
0x2b: {  	_ =	sdelay $0x1  }
0x2c: {  	v4 =	vmov s4  }
0x2d: {  	vm0 =	veq.s32 v4, v3  }
0x2e: {  	s2 =	simm.s32 $0x1880;
	v3 =	vld [tilespmem:$0x1800]  }
0x2f: {  	v6 =	vld [tilespmem:s2+$0x0]  }
0x30: {  	s3 =	simm.s32 $0x1  }
0x31: {  	v4 =	vlaneseq.u32;
	v7 =	vmov s3  }
0x32: {  	v2 =	vsel vm0, v5, v2;
	s3 =	simm.s32 $0x2;
	vm0 =	veq.s32 v7, v4  }
.LBB2_8:
0x33: {  	p0 =	sne.s32 s3, $0xF  }
0x34: {  	v3 =	vsel vm0, v6, v3;
	s2 =	sadd.s32 $0x80, s2;
	s4 =	smov.u32 s3;
	s3 =	sadd.s32 $0x1, s3  }
.Ltmp3:
0x35: {  	v6 =	vld [tilespmem:s2+$0x0];
	(pc) =	sbr.rel @p0 .LBB2_8-.Ltmp3, $3  }
0x36: {  	_ =	sdelay $0x1  }
0x37: {  	v5 =	vmov s4  }
0x38: {  	vm0 =	veq.s32 v5, v4  }
0x39: {  	s2 =	simm.s32 $0x0  }
0x3a: {  	v10 =	vld [tilespmem:s2+$0x0]  }
0x3b: {  	v5 =	vlaneseq.u32  }
0x3c: {  	v8 =	vsel vm0, v6, v3;
	v3 =	vimm.s32 $0x0;
	v13 =	vimm.s32 $0x0  }
0x3d: {  	v14 =	vimm.s32 $0x0;
	v12 =	vimm.s32 $0x0;
	v7 =	vor.u32 $0x10, v5  }
0x3e: {  	v6 =	vor.u32 $0x20, v5;
	v9 =	vor.u32 $0x30, v5;
	v4 =	vmov s2  }
0x3f: {  	vm2 =	vlt.u32 v4, v9;
	vm6 =	vlt.u32 v4, v6;
	vm0 =	veq.f32 v10, v0  }
0x40: {  	vm1 =	veq.f32 v10, v8;
	vm3 =	veq.f32 v10, v1;
	vm4 =	vgt.f32 v10, v8  }
0x41: {  	vm5 =	veq.f32 v10, v2;
	vm1 =	vmand vm2, vm1;
	vm2 =	vlt.u32 v4, v5  }
0x42: {  	vm1 =	vmor vm4, vm1;
	vm4 =	vlt.u32 v4, v7;
	vm0 =	vmand vm2, vm0  }
0x43: {  	s3 =	simm.s32 $0x80;
	vm2 =	vmand vm6, vm5;
	v4 =	vsel vm1, $0x1, v3;
	vm1 =	vmand vm4, vm3  }
0x44: {  	s4 =	simm.s32 $0x2;
	s2 =	simm.s32 $0x1;
	v11 =	vld [tilespmem:s3+$0x0];
	vm3 =	vgt.f32 v10, v0;
	vm4 =	vgt.f32 v10, v1;
	v4 =	vadd.s32 v4, v3  }
.LBB2_10:
0x45: {  	p0 =	sne.s32 s4, $0x3F;
	vm0 =	vmor vm3, vm0;
	vm1 =	vmor vm4, vm1;
	vm3 =	vgt.f32 v10, v2  }
0x46: {  	v10 =	vsel vm0, $0x1, v3;
	v15 =	vsel vm1, $0x1, v3;
	vm0 =	vmor vm3, vm2  }
0x47: {  	v13 =	vadd.s32 v10, v13;
	v14 =	vadd.s32 v15, v14;
	v16 =	vsel vm0, $0x1, v3  }
0x48: {  	v15 =	vmov s2;
	s2 =	smov.u32 s4;
	v12 =	vadd.s32 v16, v12  }
0x49: {  	vm2 =	vlt.u32 v15, v9;
	vm0 =	veq.f32 v11, v0;
	vm1 =	veq.f32 v11, v8;
	v10 =	vmovc v11  }
.Ltmp4:
0x4a: {  	vm3 =	veq.f32 v10, v1;
	vm4 =	vgt.f32 v10, v8;
	vm1 =	vmand vm2, vm1;
	(pc) =	sbr.rel @p0 .LBB2_10-.Ltmp4, $4  }
0x4b: {  	vm2 =	vlt.u32 v15, v5;
	vm5 =	veq.f32 v10, v2;
	vm1 =	vmor vm4, vm1  }
0x4c: {  	vm6 =	vlt.u32 v15, v6;
	vm4 =	vlt.u32 v15, v7;
	v11 =	vsel vm1, $0x1, v3  }
0x4d: {  	s3 =	sadd.s32 $0x80, s3;
	vm0 =	vmand vm2, vm0;
	vm1 =	vmand vm4, vm3;
	v4 =	vadd.s32 v11, v4  }
0x4e: {  	s4 =	sadd.s32 $0x1, s4;
	vm2 =	vmand vm6, vm5;
	vm3 =	vgt.f32 v10, v0;
	vm4 =	vgt.f32 v10, v1;
	v11 =	vld [tilespmem:s3+$0x0]  }
0x4f: {  	vm0 =	vmor vm3, vm0;
	vm1 =	vmor vm4, vm1;
	vm10 =	vgt.f32 v10, v2  }
0x50: {  	v59 =	vmov s2;
	v56 =	vsel vm0, $0x1, v3;
	v15 =	vsel vm1, $0x1, v3  }
0x51: {  	vm11 =	vmor vm10, vm2;
	vm14 =	vlt.u32 v59, v9;
	vm10 =	vlt.u32 v59, v5  }
0x52: {  	vm6 =	vlt.u32 v59, v7;
	v10 =	vadd.s32 v56, v13;
	v58 =	vsel vm11, $0x1, v3  }
0x53: {  	v57 =	vadd.s32 v15, v14;
	vm11 =	vlt.u32 v59, v6;
	v12 =	vadd.s32 v58, v12  }
0x54: {  	vm12 =	veq.f32 v11, v0;
	vm13 =	veq.f32 v11, v8;
	vm15 =	veq.f32 v11, v1  }
0x55: {  	vm9 =	vgt.f32 v11, v8;
	vm5 =	veq.f32 v11, v2;
	vm1 =	vmand vm14, vm13  }
0x56: {  	vm0 =	vmand vm10, vm12;
	vm3 =	vmand vm6, vm15;
	vm12 =	vgt.f32 v11, v0  }
0x57: {  	vm2 =	vmand vm11, vm5;
	vm13 =	vgt.f32 v11, v1;
	vm0 =	vmor vm12, vm0  }
0x58: {  	vm14 =	vgt.f32 v11, v2;
	vm3 =	vmor vm13, vm3;
	v60 =	vsel vm0, $0x1, v3  }
0x59: {  	vm15 =	vmor vm14, vm2;
	v61 =	vsel vm3, $0x1, v3;
	v0 =	vadd.s32 v60, v10  }
0x5a: {  	vm1 =	vmor vm9, vm1;
	v62 =	vsel vm15, $0x1, v3;
	v1 =	vadd.s32 v61, v57;
	[tilespmem:$0x2000] =	vst v0  }
0x5b: {  	v63 =	vsel vm1, $0x1, v3;
	v2 =	vadd.s32 v62, v12;
	[tilespmem:$0x2010] =	vst v1  }
0x5c: {  	v0 =	vadd.s32 v63, v4;
	[tilespmem:$0x2020] =	vst v2  }
0x5d: {  	s30 =	simm.s32 $0x0;
	s3 =	simm.s32 $0x2000;
	s31 =	simm.s32 $0x1;
	[tilespmem:$0x2030] =	vst v0  }
0x5e: {  	[hbm4b:s1+s30] =	stream.linear.scatter [tilespmem:s3], [sflag:$0x1], $0x80, $0x38;
	[tilespmem:$0x2080] =	vst v63  }
0x5f: {  	_ =	swait.ge [sflag:s31], $0x80  }
0x60: {  	[sflag:s31] =	ssyncset.done $0x0  }
0x61: {  	[sflag:s31] =	ssyncadd.s32 $0xFFFFFF80  }
0x62: {  	_ =	sfence.sel $0x180000  }
0x63: {  	[bflag:$0x0] =	sbarrier.arrive $0xFFFF  }
0x64: {  	_ =	strace $0x90000047  }
0x65: {  	s0 =	sadd.s32 $0x100000, s0;
	[bflag:$0x2] =	sbarrier.arrive $0xFFFF  }
0x66: {  	[sflag:s0] =	ssyncadd.tile.s32 $0x1;
	_ =	shalt  }
.Lfunc_end2:
_tile_overlayer_lowered:
.L_overlay_start_2:
0x67: {  	(tag) =	ssettag $0x2  }
0x68: {  	s0 =	rddreg [dreg:$0x0];
	s2 =	stileid.u32  }
0x69: {  	s1 =	rddreg [dreg:$0x1];
	p0 =	sne.s32 s2, $0x0  }
0x6a: {  	s3 =	rddreg [dreg:$0x2];
	[bflag:$0x3] =	sbarrier.arrive $0xFFFF;
	s2 =	simm.s32 @!p0 $0x1C01  }
0x6b: {  	[timem:s3], [sflag:s2] =	dma.local @!p0 [hbm:s0], s1  }
0x6c: {  	s0 =	simm.s32 @!p0 $0x1  }
0x6d: {  	_ =	swait.ge @!p0 [sflag:s0], s1  }
0x6e: {  	s1 =	ssub.s32 @!p0 $0x0, s1;
	[sflag:s0] =	ssyncset.done @!p0 $0x0  }
0x6f: {  	[sflag:s0] =	ssyncadd.s32 @!p0 s1  }
0x70: {  	[bflag:$0x3] =	sbarrier.arrive $0xFFFF  }
0x71: {  	_ =	shalt  }

</sc_bundles>
